<compile_context>
chip_gen: v7x
topology: tpu7x:2x2x1
jax: 0.10.2.dev20260603
libtpu: 0.0.44.dev20260713+nightly
codegen_flags: <defaults>
</compile_context>

<pallas_src>
import functools

import jax
import jax.numpy as jnp
from jax import lax
from jax.experimental import pallas as pl
from jax.experimental.pallas import tpu as pltpu
from jax.experimental.pallas import tpu_sc as plsc

B = 32
C = 256
D = 128
HIST = 24
E0 = C * 16
NTILES = 32
ROWS_PER_TILE = C // NTILES
BANK = ROWS_PER_TILE * C
LANES = 16


def _sc_counts_body(src_hbm, dst_hbm, out_hbm, src_v, dst_v, acc_v, fin_v):
    wid = lax.axis_index("s") * 2 + lax.axis_index("c")
    row_base = wid * ROWS_PER_TILE

    pltpu.sync_copy(src_hbm, src_v)
    pltpu.sync_copy(dst_hbm, dst_v)

    zeros16 = jnp.zeros((LANES,), jnp.float32)
    ones16 = jnp.ones((LANES,), jnp.float32)
    lane = lax.broadcasted_iota(jnp.int32, (LANES,), 0)
    lane_base = lane * BANK

    ZUNROLL = 16
    def zero_body(i, _):
        for u in range(ZUNROLL):
            acc_v[pl.ds((i * ZUNROLL + u) * LANES, LANES)] = zeros16
        return 0
    lax.fori_loop(0, (LANES * BANK) // (LANES * ZUNROLL), zero_body, 0)

    lr8 = lane
    diag_idx = lane_base + lr8 * C + (row_base + lr8)
    diag_mask = lr8 < ROWS_PER_TILE
    diag_idx = jnp.where(diag_mask, diag_idx, lane_base)
    plsc.addupdate_scatter(acc_v, [diag_idx], ones16, mask=diag_mask)

    EUNROLL = 8
    def edge_body(e, _):
        for u in range(EUNROLL):
            off = (e * EUNROLL + u) * LANES
            s = src_v[pl.ds(off, LANES)]
            d = dst_v[pl.ds(off, LANES)]
            lr = d - row_base
            mask = (lr >= 0) & (lr < ROWS_PER_TILE)
            idx = lane_base + lr * C + s
            idx = jnp.where(mask, idx, lane_base)
            plsc.addupdate_scatter(acc_v, [idx], ones16, mask=mask)
        return 0
    lax.fori_loop(0, E0 // (LANES * EUNROLL), edge_body, 0)

    RUNROLL = 4
    def red_body(j, _):
        for u in range(RUNROLL):
            jj = j * RUNROLL + u
            tot = zeros16
            for l in range(LANES):
                tot = tot + acc_v[pl.ds(l * BANK + jj * LANES, LANES)]
            fin_v[pl.ds(jj * LANES, LANES)] = tot
        return 0
    lax.fori_loop(0, BANK // (LANES * RUNROLL), red_body, 0)

    pltpu.sync_copy(fin_v, out_hbm.at[pl.ds(row_base * C, BANK)])


@functools.cache
def _sc_edge_counts():
    return pl.kernel(
        _sc_counts_body,
        out_type=jax.ShapeDtypeStruct((C * C,), jnp.float32),
        mesh=plsc.VectorSubcoreMesh(core_axis_name="c", subcore_axis_name="s",
                                    num_cores=2, num_subcores=16),
        compiler_params=pltpu.CompilerParams(needs_layout_passes=False),
        scratch_types=[
            pltpu.VMEM((E0,), jnp.int32),
            pltpu.VMEM((E0,), jnp.int32),
            pltpu.VMEM((LANES * BANK,), jnp.float32),
            pltpu.VMEM((BANK,), jnp.float32),
        ],
    )


DEPTH = 4


def _tc_body(counts_ref, H_hbm, x_ref, W_ref, b_ref, out_ref, hbuf, sems):
    bidx = pl.program_id(0)

    def _issue(step):
        slot = lax.rem(step, DEPTH)
        pltpu.make_async_copy(H_hbm.at[step], hbuf.at[slot],
                              sems.at[slot]).start()

    @pl.when(bidx == 0)
    def _():
        for k in range(DEPTH - 1):
            _issue(k)

    @pl.when(bidx + DEPTH - 1 < B)
    def _():
        _issue(bidx + DEPTH - 1)

    slot = lax.rem(bidx, DEPTH)
    pltpu.make_async_copy(H_hbm.at[bidx], hbuf.at[slot],
                          sems.at[slot]).wait()

    cnt = counts_ref[...]
    ones_col = jnp.ones((C, 1), jnp.float32)
    ones_row = jnp.ones((1, C), jnp.float32)
    deg = lax.dot_general(cnt, ones_col, (((1,), (0,)), ((), ())),
                          preferred_element_type=jnp.float32)
    degT = lax.dot_general(ones_row, cnt, (((1,), (1,)), ((), ())),
                           preferred_element_type=jnp.float32)
    dinv_h = 0.5 * lax.rsqrt(deg)
    dinvT = lax.rsqrt(degT)
    An = (cnt * dinv_h) * dinvT

    Hb = hbuf[slot]
    xb = x_ref[0]
    b05 = 0.5 * b_ref[...]

    M = lax.dot_general(Hb.reshape(HIST * C, D), W_ref[...],
                        (((1,), (0,)), ((), ())),
                        preferred_element_type=jnp.float32)
    M = M.reshape(HIST, C, D)

    tot = None
    acc = None
    for i in range(HIST):
        Pi = lax.dot_general(An, M[i], (((1,), (0,)), ((), ())),
                             preferred_element_type=jnp.float32)
        ti = jnp.tanh(Pi + b05)
        ri = jnp.sum(xb * ti, axis=1, keepdims=True)
        ei = jnp.exp(0.5 * ri)
        if i == 0:
            tot = ei
            acc = ei * ti
        else:
            tot = tot + ei
            acc = acc + ei * ti
    out_ref[0] = 0.5 * (acc * (1.0 / tot)) + 0.5


def _tc_graph_attention(counts, H, x, W, bvec):
    return pl.pallas_call(
        _tc_body,
        grid=(B,),
        in_specs=[
            pl.BlockSpec((C, C), lambda b: (0, 0)),
            pl.BlockSpec(memory_space=pltpu.MemorySpace.HBM),
            pl.BlockSpec((1, C, D), lambda b: (b, 0, 0)),
            pl.BlockSpec((D, D), lambda b: (0, 0)),
            pl.BlockSpec((1, D), lambda b: (0, 0)),
        ],
        out_specs=pl.BlockSpec((1, C, D), lambda b: (b, 0, 0)),
        out_shape=jax.ShapeDtypeStruct((B, C, D), jnp.float32),
        scratch_shapes=[
            pltpu.VMEM((DEPTH, HIST, C, D), jnp.float32),
            pltpu.SemaphoreType.DMA((DEPTH,)),
        ],
        compiler_params=pltpu.CompilerParams(
            dimension_semantics=("arbitrary",),
        ),
    )(counts, H, x, W, bvec)


@jax.jit
def kernel(H, x, edge_index, W, b):
    src = edge_index[0, :E0]
    dst = edge_index[1, :E0]
    counts = _sc_edge_counts()(src, dst).reshape(C, C)
    return _tc_graph_attention(counts, H, x, W, b.reshape(1, D))

# --- scband reference (transcript-rebuilt; emitter-appended) ---
"""Pipeline reference for scband-graph-attention-54099408060628 (READ-ONLY COPY).

The authoritative reference and input builder live on the scoring server;
editing this copy changes nothing except your own understanding.
"""

import jax, jax.numpy as jnp
import numpy as np

B = 32       # batch_size
C = 256      # city_num (num_locs)
D = 128      # hid_dim
HIST = 24    # hist_len
DEG = 16     # avg degree of the per-sample city graph


def setup_inputs(seed: int = 0) -> dict:
    key = jax.random.key(seed)
    k1, k2, k3, k4, k5 = jax.random.split(key, 5)
    H = jax.random.normal(k1, (B, HIST, C, D), dtype=jnp.float32)
    x = jax.random.normal(k2, (B, C, D), dtype=jnp.float32)
    # per-graph edge_indices (the __init__ arg), shape [2, E0]
    E0 = C * DEG
    src = jax.random.randint(k3, (E0,), 0, C, dtype=jnp.int32)
    dst = jax.random.randint(k4, (E0,), 0, C, dtype=jnp.int32)
    base = jnp.stack([src, dst], axis=0)  # [2, E0]
    # replicate across batch with node-offset, exactly as in __init__:
    # edge_indices.view(2,1,-1).repeat(1,B,1) + arange(B).view(1,-1,1)*C
    offs = (jnp.arange(B, dtype=jnp.int32) * C)
    edge_index = (base[:, None, :] + offs[None, :, None]).reshape(2, -1)  # [2, B*E0]
    # GCNConv parameters
    W = jax.random.normal(k5, (D, D), dtype=jnp.float32) / np.sqrt(D)
    b = jnp.zeros((D,), dtype=jnp.float32)
    return {"H": H, "x": x, "edge_index": edge_index, "W": W, "b": b}


def gcn_conv(x, edge_index, W, b):
    """torch_geometric GCNConv: self-loops + symmetric normalization + linear."""
    n = x.shape[0]
    loop = jnp.arange(n, dtype=edge_index.dtype)
    src = jnp.concatenate([edge_index[0], loop])
    dst = jnp.concatenate([edge_index[1], loop])
    deg = jnp.zeros((n,), dtype=x.dtype).at[dst].add(1.0)
    dinv = jnp.where(deg > 0, jax.lax.rsqrt(jnp.maximum(deg, 1e-12)), 0.0)
    norm = dinv[src] * dinv[dst]
    xw = x @ W
    msg = xw[src] * norm[:, None]
    out = jnp.zeros_like(xw).at[dst].add(msg)
    return out + b


def reference(H, x, edge_index, W, b):
    batch, hist, locs, dim = H.shape
    Ht = jnp.transpose(H, (0, 2, 1, 3)).reshape(batch * locs, hist, dim)
    xf = x.reshape(batch * locs, 1, dim)
    hs = []
    for i in range(hist):
        h = Ht[:, i]
        hs.append(jax.nn.sigmoid(gcn_conv(h, edge_index, W, b)))
    Hg = jnp.stack(hs, axis=1)                       # [B*C, HIST, D]
    scores = jnp.einsum('bqd,bhd->bqh', xf, Hg)      # bmm(x, Hg^T) -> [B*C, 1, HIST]
    weights = jax.nn.softmax(scores, axis=2).reshape(batch * locs, hist, 1)
    out = jnp.sum(weights * Hg, axis=1)              # [B*C, D]
    return out.reshape(batch, locs, dim)

if __name__ == "__main__":
    import jax
    _d = setup_inputs()
    print(jax.jit(kernel)(*tuple(_d.values())))

</pallas_src>

<mosaic_0001>
#map = affine_map<(d0, d1) -> (0)>
module attributes {stable_mosaic.version = 14 : i64} {
  func.func @_sc_counts_body(%arg0: i32, %arg1: i32, %arg2: memref<4096xi32, #tpu.memory_space<hbm>>, %arg3: memref<4096xi32, #tpu.memory_space<hbm>>, %arg4: memref<65536xf32, #tpu.memory_space<hbm>>, %arg5: memref<4096xi32, #tpu.memory_space<vmem>>, %arg6: memref<4096xi32, #tpu.memory_space<vmem>>, %arg7: memref<32768xf32, #tpu.memory_space<vmem>>, %arg8: memref<2048xf32, #tpu.memory_space<vmem>>) attributes {dimension_semantics = [#tpu.dimension_semantics<core_parallel>, #tpu.dimension_semantics<subcore_parallel>], iteration_bounds = array<i64: 2, 16>, scalar_prefetch = 0 : i64, scratch_operands = 4 : i64, tpu.core_type = #tpu.core_type<sc_vector_subcore>, window_params = [{transform_indices = #map}, {transform_indices = #map}, {transform_indices = #map}]} {
    %mul3A = arith.constant 2 : i32
    %mul3A_0 = arith.muli %arg1, %mul3A : i32
    %add3A = arith.addi %mul3A_0, %arg0 : i32
    %mul3A_1 = arith.constant 8 : i32
    %mul3A_2 = arith.muli %add3A, %mul3A_1 : i32
    "tpu.region"() ({
      %run_scoped3A = tpu.sem_alloc : memref<!tpu.dma_semaphore, #tpu.memory_space<semaphore_mem>>
      tpu.enqueue_dma source(%arg2 : memref<4096xi32, #tpu.memory_space<hbm>>) target(%arg5 : memref<4096xi32, #tpu.memory_space<vmem>>) target_semaphore(%run_scoped3A : memref<!tpu.dma_semaphore, #tpu.memory_space<semaphore_mem>>)
      tpu.wait_dma2 semaphore(%run_scoped3A : memref<!tpu.dma_semaphore, #tpu.memory_space<semaphore_mem>>) src(%arg2 : memref<4096xi32, #tpu.memory_space<hbm>>) dst(%arg5 : memref<4096xi32, #tpu.memory_space<vmem>>)
      tpu.yield
    }) : () -> ()
    "tpu.region"() ({
      %run_scoped3A = tpu.sem_alloc : memref<!tpu.dma_semaphore, #tpu.memory_space<semaphore_mem>>
      tpu.enqueue_dma source(%arg3 : memref<4096xi32, #tpu.memory_space<hbm>>) target(%arg6 : memref<4096xi32, #tpu.memory_space<vmem>>) target_semaphore(%run_scoped3A : memref<!tpu.dma_semaphore, #tpu.memory_space<semaphore_mem>>)
      tpu.wait_dma2 semaphore(%run_scoped3A : memref<!tpu.dma_semaphore, #tpu.memory_space<semaphore_mem>>) src(%arg3 : memref<4096xi32, #tpu.memory_space<hbm>>) dst(%arg6 : memref<4096xi32, #tpu.memory_space<vmem>>)
      tpu.yield
    }) : () -> ()
    %broadcast_in_dim3A = arith.constant 0.000000e+00 : f32
    %broadcast_in_dim3A_3 = vector.broadcast %broadcast_in_dim3A : f32 to vector<16xf32>
    %broadcast_in_dim3A_4 = arith.constant 1.000000e+00 : f32
    %broadcast_in_dim3A_5 = vector.broadcast %broadcast_in_dim3A_4 : f32 to vector<16xf32>
    %iota3A = tpu.iota {dimensions = array<i32: 0>} : vector<16xi32>
    %mul3A_6 = arith.constant 2048 : i32
    %mul3A_7 = vector.broadcast %mul3A_6 : i32 to vector<16xi32>
    %mul3A_8 = arith.muli %iota3A, %mul3A_7 : vector<16xi32>
    %scan3A = arith.constant 0 : i32
    %scan3A_9 = arith.constant 0 : i32
    %scan3A_10 = arith.constant 128 : i32
    %scan3A_11 = arith.addi %scan3A_9, %scan3A_10 : i32
    %scan3A_12 = arith.constant 1 : i32
    %scan3A_13 = scf.for %scan3A_40 = %scan3A_9 to %scan3A_11 step %scan3A_12 iter_args(%scan3A_41 = %scan3A) -> (i32)  : i32 {
      %mul3A_42 = arith.constant 16 : i32
      %mul3A_43 = arith.muli %scan3A_40, %mul3A_42 : i32
      %add3A_44 = arith.constant 0 : i32
      %add3A_45 = arith.addi %mul3A_43, %add3A_44 : i32
      %mul3A_46 = arith.constant 16 : i32
      %mul3A_47 = arith.muli %add3A_45, %mul3A_46 : i32
      %swap3A = arith.index_cast %mul3A_47 : i32 to index
      %swap3A_48 = tpu.vector_load %arg7[%swap3A] {strides = array<i32>} : memref<32768xf32, #tpu.memory_space<vmem>>, vector<16xf32>,
      tpu.vector_store %arg7[%swap3A], %broadcast_in_dim3A_3 {strides = array<i32>} : memref<32768xf32, #tpu.memory_space<vmem>>, vector<16xf32>,
      %mul3A_49 = arith.constant 16 : i32
      %mul3A_50 = arith.muli %scan3A_40, %mul3A_49 : i32
      %add3A_51 = arith.constant 1 : i32
      %add3A_52 = arith.addi %mul3A_50, %add3A_51 : i32
      %mul3A_53 = arith.constant 16 : i32
      %mul3A_54 = arith.muli %add3A_52, %mul3A_53 : i32
      %swap3A_55 = arith.index_cast %mul3A_54 : i32 to index
      %swap3A_56 = tpu.vector_load %arg7[%swap3A_55] {strides = array<i32>} : memref<32768xf32, #tpu.memory_space<vmem>>, vector<16xf32>,
      tpu.vector_store %arg7[%swap3A_55], %broadcast_in_dim3A_3 {strides = array<i32>} : memref<32768xf32, #tpu.memory_space<vmem>>, vector<16xf32>,
      %mul3A_57 = arith.constant 16 : i32
      %mul3A_58 = arith.muli %scan3A_40, %mul3A_57 : i32
      %add3A_59 = arith.constant 2 : i32
      %add3A_60 = arith.addi %mul3A_58, %add3A_59 : i32
      %mul3A_61 = arith.constant 16 : i32
      %mul3A_62 = arith.muli %add3A_60, %mul3A_61 : i32
      %swap3A_63 = arith.index_cast %mul3A_62 : i32 to index
      %swap3A_64 = tpu.vector_load %arg7[%swap3A_63] {strides = array<i32>} : memref<32768xf32, #tpu.memory_space<vmem>>, vector<16xf32>,
      tpu.vector_store %arg7[%swap3A_63], %broadcast_in_dim3A_3 {strides = array<i32>} : memref<32768xf32, #tpu.memory_space<vmem>>, vector<16xf32>,
      %mul3A_65 = arith.constant 16 : i32
      %mul3A_66 = arith.muli %scan3A_40, %mul3A_65 : i32
      %add3A_67 = arith.constant 3 : i32
      %add3A_68 = arith.addi %mul3A_66, %add3A_67 : i32
      %mul3A_69 = arith.constant 16 : i32
      %mul3A_70 = arith.muli %add3A_68, %mul3A_69 : i32
      %swap3A_71 = arith.index_cast %mul3A_70 : i32 to index
      %swap3A_72 = tpu.vector_load %arg7[%swap3A_71] {strides = array<i32>} : memref<32768xf32, #tpu.memory_space<vmem>>, vector<16xf32>,
      tpu.vector_store %arg7[%swap3A_71], %broadcast_in_dim3A_3 {strides = array<i32>} : memref<32768xf32, #tpu.memory_space<vmem>>, vector<16xf32>,
      %mul3A_73 = arith.constant 16 : i32
      %mul3A_74 = arith.muli %scan3A_40, %mul3A_73 : i32
      %add3A_75 = arith.constant 4 : i32
      %add3A_76 = arith.addi %mul3A_74, %add3A_75 : i32
      %mul3A_77 = arith.constant 16 : i32
      %mul3A_78 = arith.muli %add3A_76, %mul3A_77 : i32
      %swap3A_79 = arith.index_cast %mul3A_78 : i32 to index
      %swap3A_80 = tpu.vector_load %arg7[%swap3A_79] {strides = array<i32>} : memref<32768xf32, #tpu.memory_space<vmem>>, vector<16xf32>,
      tpu.vector_store %arg7[%swap3A_79], %broadcast_in_dim3A_3 {strides = array<i32>} : memref<32768xf32, #tpu.memory_space<vmem>>, vector<16xf32>,
      %mul3A_81 = arith.constant 16 : i32
      %mul3A_82 = arith.muli %scan3A_40, %mul3A_81 : i32
      %add3A_83 = arith.constant 5 : i32
      %add3A_84 = arith.addi %mul3A_82, %add3A_83 : i32
      %mul3A_85 = arith.constant 16 : i32
      %mul3A_86 = arith.muli %add3A_84, %mul3A_85 : i32
      %swap3A_87 = arith.index_cast %mul3A_86 : i32 to index
      %swap3A_88 = tpu.vector_load %arg7[%swap3A_87] {strides = array<i32>} : memref<32768xf32, #tpu.memory_space<vmem>>, vector<16xf32>,
      tpu.vector_store %arg7[%swap3A_87], %broadcast_in_dim3A_3 {strides = array<i32>} : memref<32768xf32, #tpu.memory_space<vmem>>, vector<16xf32>,
      %mul3A_89 = arith.constant 16 : i32
      %mul3A_90 = arith.muli %scan3A_40, %mul3A_89 : i32
      %add3A_91 = arith.constant 6 : i32
      %add3A_92 = arith.addi %mul3A_90, %add3A_91 : i32
      %mul3A_93 = arith.constant 16 : i32
      %mul3A_94 = arith.muli %add3A_92, %mul3A_93 : i32
      %swap3A_95 = arith.index_cast %mul3A_94 : i32 to index
      %swap3A_96 = tpu.vector_load %arg7[%swap3A_95] {strides = array<i32>} : memref<32768xf32, #tpu.memory_space<vmem>>, vector<16xf32>,
      tpu.vector_store %arg7[%swap3A_95], %broadcast_in_dim3A_3 {strides = array<i32>} : memref<32768xf32, #tpu.memory_space<vmem>>, vector<16xf32>,
      %mul3A_97 = arith.constant 16 : i32
      %mul3A_98 = arith.muli %scan3A_40, %mul3A_97 : i32
      %add3A_99 = arith.constant 7 : i32
      %add3A_100 = arith.addi %mul3A_98, %add3A_99 : i32
      %mul3A_101 = arith.constant 16 : i32
      %mul3A_102 = arith.muli %add3A_100, %mul3A_101 : i32
      %swap3A_103 = arith.index_cast %mul3A_102 : i32 to index
      %swap3A_104 = tpu.vector_load %arg7[%swap3A_103] {strides = array<i32>} : memref<32768xf32, #tpu.memory_space<vmem>>, vector<16xf32>,
      tpu.vector_store %arg7[%swap3A_103], %broadcast_in_dim3A_3 {strides = array<i32>} : memref<32768xf32, #tpu.memory_space<vmem>>, vector<16xf32>,
      %mul3A_105 = arith.constant 16 : i32
      %mul3A_106 = arith.muli %scan3A_40, %mul3A_105 : i32
      %add3A_107 = arith.constant 8 : i32
      %add3A_108 = arith.addi %mul3A_106, %add3A_107 : i32
      %mul3A_109 = arith.constant 16 : i32
      %mul3A_110 = arith.muli %add3A_108, %mul3A_109 : i32
      %swap3A_111 = arith.index_cast %mul3A_110 : i32 to index
      %swap3A_112 = tpu.vector_load %arg7[%swap3A_111] {strides = array<i32>} : memref<32768xf32, #tpu.memory_space<vmem>>, vector<16xf32>,
      tpu.vector_store %arg7[%swap3A_111], %broadcast_in_dim3A_3 {strides = array<i32>} : memref<32768xf32, #tpu.memory_space<vmem>>, vector<16xf32>,
      %mul3A_113 = arith.constant 16 : i32
      %mul3A_114 = arith.muli %scan3A_40, %mul3A_113 : i32
      %add3A_115 = arith.constant 9 : i32
      %add3A_116 = arith.addi %mul3A_114, %add3A_115 : i32
      %mul3A_117 = arith.constant 16 : i32
      %mul3A_118 = arith.muli %add3A_116, %mul3A_117 : i32
      %swap3A_119 = arith.index_cast %mul3A_118 : i32 to index
      %swap3A_120 = tpu.vector_load %arg7[%swap3A_119] {strides = array<i32>} : memref<32768xf32, #tpu.memory_space<vmem>>, vector<16xf32>,
      tpu.vector_store %arg7[%swap3A_119], %broadcast_in_dim3A_3 {strides = array<i32>} : memref<32768xf32, #tpu.memory_space<vmem>>, vector<16xf32>,
      %mul3A_121 = arith.constant 16 : i32
      %mul3A_122 = arith.muli %scan3A_40, %mul3A_121 : i32
      %add3A_123 = arith.constant 10 : i32
      %add3A_124 = arith.addi %mul3A_122, %add3A_123 : i32
      %mul3A_125 = arith.constant 16 : i32
      %mul3A_126 = arith.muli %add3A_124, %mul3A_125 : i32
      %swap3A_127 = arith.index_cast %mul3A_126 : i32 to index
      %swap3A_128 = tpu.vector_load %arg7[%swap3A_127] {strides = array<i32>} : memref<32768xf32, #tpu.memory_space<vmem>>, vector<16xf32>,
      tpu.vector_store %arg7[%swap3A_127], %broadcast_in_dim3A_3 {strides = array<i32>} : memref<32768xf32, #tpu.memory_space<vmem>>, vector<16xf32>,
      %mul3A_129 = arith.constant 16 : i32
      %mul3A_130 = arith.muli %scan3A_40, %mul3A_129 : i32
      %add3A_131 = arith.constant 11 : i32
      %add3A_132 = arith.addi %mul3A_130, %add3A_131 : i32
      %mul3A_133 = arith.constant 16 : i32
      %mul3A_134 = arith.muli %add3A_132, %mul3A_133 : i32
      %swap3A_135 = arith.index_cast %mul3A_134 : i32 to index
      %swap3A_136 = tpu.vector_load %arg7[%swap3A_135] {strides = array<i32>} : memref<32768xf32, #tpu.memory_space<vmem>>, vector<16xf32>,
      tpu.vector_store %arg7[%swap3A_135], %broadcast_in_dim3A_3 {strides = array<i32>} : memref<32768xf32, #tpu.memory_space<vmem>>, vector<16xf32>,
      %mul3A_137 = arith.constant 16 : i32
      %mul3A_138 = arith.muli %scan3A_40, %mul3A_137 : i32
      %add3A_139 = arith.constant 12 : i32
      %add3A_140 = arith.addi %mul3A_138, %add3A_139 : i32
      %mul3A_141 = arith.constant 16 : i32
      %mul3A_142 = arith.muli %add3A_140, %mul3A_141 : i32
      %swap3A_143 = arith.index_cast %mul3A_142 : i32 to index
      %swap3A_144 = tpu.vector_load %arg7[%swap3A_143] {strides = array<i32>} : memref<32768xf32, #tpu.memory_space<vmem>>, vector<16xf32>,
      tpu.vector_store %arg7[%swap3A_143], %broadcast_in_dim3A_3 {strides = array<i32>} : memref<32768xf32, #tpu.memory_space<vmem>>, vector<16xf32>,
      %mul3A_145 = arith.constant 16 : i32
      %mul3A_146 = arith.muli %scan3A_40, %mul3A_145 : i32
      %add3A_147 = arith.constant 13 : i32
      %add3A_148 = arith.addi %mul3A_146, %add3A_147 : i32
      %mul3A_149 = arith.constant 16 : i32
      %mul3A_150 = arith.muli %add3A_148, %mul3A_149 : i32
      %swap3A_151 = arith.index_cast %mul3A_150 : i32 to index
      %swap3A_152 = tpu.vector_load %arg7[%swap3A_151] {strides = array<i32>} : memref<32768xf32, #tpu.memory_space<vmem>>, vector<16xf32>,
      tpu.vector_store %arg7[%swap3A_151], %broadcast_in_dim3A_3 {strides = array<i32>} : memref<32768xf32, #tpu.memory_space<vmem>>, vector<16xf32>,
      %mul3A_153 = arith.constant 16 : i32
      %mul3A_154 = arith.muli %scan3A_40, %mul3A_153 : i32
      %add3A_155 = arith.constant 14 : i32
      %add3A_156 = arith.addi %mul3A_154, %add3A_155 : i32
      %mul3A_157 = arith.constant 16 : i32
      %mul3A_158 = arith.muli %add3A_156, %mul3A_157 : i32
      %swap3A_159 = arith.index_cast %mul3A_158 : i32 to index
      %swap3A_160 = tpu.vector_load %arg7[%swap3A_159] {strides = array<i32>} : memref<32768xf32, #tpu.memory_space<vmem>>, vector<16xf32>,
      tpu.vector_store %arg7[%swap3A_159], %broadcast_in_dim3A_3 {strides = array<i32>} : memref<32768xf32, #tpu.memory_space<vmem>>, vector<16xf32>,
      %mul3A_161 = arith.constant 16 : i32
      %mul3A_162 = arith.muli %scan3A_40, %mul3A_161 : i32
      %add3A_163 = arith.constant 15 : i32
      %add3A_164 = arith.addi %mul3A_162, %add3A_163 : i32
      %mul3A_165 = arith.constant 16 : i32
      %mul3A_166 = arith.muli %add3A_164, %mul3A_165 : i32
      %swap3A_167 = arith.index_cast %mul3A_166 : i32 to index
      %swap3A_168 = tpu.vector_load %arg7[%swap3A_167] {strides = array<i32>} : memref<32768xf32, #tpu.memory_space<vmem>>, vector<16xf32>,
      tpu.vector_store %arg7[%swap3A_167], %broadcast_in_dim3A_3 {strides = array<i32>} : memref<32768xf32, #tpu.memory_space<vmem>>, vector<16xf32>,
      %scan3A_169 = arith.constant 0 : i32
      scf.yield %scan3A_169 : i32
    }
    %scan3A_14 = arith.constant 128 : i32
    %mul3A_15 = arith.constant 256 : i32
    %mul3A_16 = vector.broadcast %mul3A_15 : i32 to vector<16xi32>
    %mul3A_17 = arith.muli %iota3A, %mul3A_16 : vector<16xi32>
    %add3A_18 = arith.addi %mul3A_8, %mul3A_17 : vector<16xi32>
    %add3A_19 = vector.broadcast %mul3A_2 : i32 to vector<16xi32>
    %add3A_20 = arith.addi %add3A_19, %iota3A : vector<16xi32>
    %add3A_21 = arith.addi %add3A_18, %add3A_20 : vector<16xi32>
    %lt3A = arith.constant 8 : i32
    %lt3A_22 = vector.broadcast %lt3A : i32 to vector<16xi32>
    %lt3A_23 = arith.cmpi slt, %iota3A, %lt3A_22 : vector<16xi32>
    %select_n3A = arith.select %lt3A_23, %add3A_21, %mul3A_8 : vector<16xi1>, vector<16xi32>
    tpu.vector_store_idx %arg7[%select_n3A], %broadcast_in_dim3A_5 masked %lt3A_23 {add = true} : memref<32768xf32, #tpu.memory_space<vmem>>[vector<16xi32>], vector<16xf32>, vector<16xi1>
    %scan3A_24 = arith.constant 0 : i32
    %scan3A_25 = arith.constant 0 : i32
    %scan3A_26 = arith.constant 32 : i32
    %scan3A_27 = arith.addi %scan3A_25, %scan3A_26 : i32
    %scan3A_28 = arith.constant 1 : i32
    %scan3A_29 = scf.for %scan3A_40 = %scan3A_25 to %scan3A_27 step %scan3A_28 iter_args(%scan3A_41 = %scan3A_24) -> (i32)  : i32 {
      %mul3A_42 = arith.constant 8 : i32
      %mul3A_43 = arith.muli %scan3A_40, %mul3A_42 : i32
      %add3A_44 = arith.constant 0 : i32
      %add3A_45 = arith.addi %mul3A_43, %add3A_44 : i32
      %mul3A_46 = arith.constant 16 : i32
      %mul3A_47 = arith.muli %add3A_45, %mul3A_46 : i32
      %get3A = arith.index_cast %mul3A_47 : i32 to index
      %get3A_48 = tpu.vector_load %arg5[%get3A] {strides = array<i32>} : memref<4096xi32, #tpu.memory_space<vmem>>, vector<16xi32>,
      %get3A_49 = arith.index_cast %mul3A_47 : i32 to index
      %get3A_50 = tpu.vector_load %arg6[%get3A_49] {strides = array<i32>} : memref<4096xi32, #tpu.memory_space<vmem>>, vector<16xi32>,
      %sub3A = vector.broadcast %mul3A_2 : i32 to vector<16xi32>
      %sub3A_51 = arith.subi %get3A_50, %sub3A : vector<16xi32>
      %ge3A = arith.constant 0 : i32
      %ge3A_52 = vector.broadcast %ge3A : i32 to vector<16xi32>
      %ge3A_53 = arith.cmpi sge, %sub3A_51, %ge3A_52 : vector<16xi32>
      %lt3A_54 = arith.constant 8 : i32
      %lt3A_55 = vector.broadcast %lt3A_54 : i32 to vector<16xi32>
      %lt3A_56 = arith.cmpi slt, %sub3A_51, %lt3A_55 : vector<16xi32>
      %and3A = arith.andi %ge3A_53, %lt3A_56 : vector<16xi1>
      %mul3A_57 = arith.constant 256 : i32
      %mul3A_58 = vector.broadcast %mul3A_57 : i32 to vector<16xi32>
      %mul3A_59 = arith.muli %sub3A_51, %mul3A_58 : vector<16xi32>
      %add3A_60 = arith.addi %mul3A_8, %mul3A_59 : vector<16xi32>
      %add3A_61 = arith.addi %add3A_60, %get3A_48 : vector<16xi32>
      %select_n3A_62 = arith.select %and3A, %add3A_61, %mul3A_8 : vector<16xi1>, vector<16xi32>
      tpu.vector_store_idx %arg7[%select_n3A_62], %broadcast_in_dim3A_5 masked %and3A {add = true} : memref<32768xf32, #tpu.memory_space<vmem>>[vector<16xi32>], vector<16xf32>, vector<16xi1>
      %mul3A_63 = arith.constant 8 : i32
      %mul3A_64 = arith.muli %scan3A_40, %mul3A_63 : i32
      %add3A_65 = arith.constant 1 : i32
      %add3A_66 = arith.addi %mul3A_64, %add3A_65 : i32
      %mul3A_67 = arith.constant 16 : i32
      %mul3A_68 = arith.muli %add3A_66, %mul3A_67 : i32
      %get3A_69 = arith.index_cast %mul3A_68 : i32 to index
      %get3A_70 = tpu.vector_load %arg5[%get3A_69] {strides = array<i32>} : memref<4096xi32, #tpu.memory_space<vmem>>, vector<16xi32>,
      %get3A_71 = arith.index_cast %mul3A_68 : i32 to index
      %get3A_72 = tpu.vector_load %arg6[%get3A_71] {strides = array<i32>} : memref<4096xi32, #tpu.memory_space<vmem>>, vector<16xi32>,
      %sub3A_73 = vector.broadcast %mul3A_2 : i32 to vector<16xi32>
      %sub3A_74 = arith.subi %get3A_72, %sub3A_73 : vector<16xi32>
      %ge3A_75 = arith.constant 0 : i32
      %ge3A_76 = vector.broadcast %ge3A_75 : i32 to vector<16xi32>
      %ge3A_77 = arith.cmpi sge, %sub3A_74, %ge3A_76 : vector<16xi32>
      %lt3A_78 = arith.constant 8 : i32
      %lt3A_79 = vector.broadcast %lt3A_78 : i32 to vector<16xi32>
      %lt3A_80 = arith.cmpi slt, %sub3A_74, %lt3A_79 : vector<16xi32>
      %and3A_81 = arith.andi %ge3A_77, %lt3A_80 : vector<16xi1>
      %mul3A_82 = arith.constant 256 : i32
      %mul3A_83 = vector.broadcast %mul3A_82 : i32 to vector<16xi32>
      %mul3A_84 = arith.muli %sub3A_74, %mul3A_83 : vector<16xi32>
      %add3A_85 = arith.addi %mul3A_8, %mul3A_84 : vector<16xi32>
      %add3A_86 = arith.addi %add3A_85, %get3A_70 : vector<16xi32>
      %select_n3A_87 = arith.select %and3A_81, %add3A_86, %mul3A_8 : vector<16xi1>, vector<16xi32>
      tpu.vector_store_idx %arg7[%select_n3A_87], %broadcast_in_dim3A_5 masked %and3A_81 {add = true} : memref<32768xf32, #tpu.memory_space<vmem>>[vector<16xi32>], vector<16xf32>, vector<16xi1>
      %mul3A_88 = arith.constant 8 : i32
      %mul3A_89 = arith.muli %scan3A_40, %mul3A_88 : i32
      %add3A_90 = arith.constant 2 : i32
      %add3A_91 = arith.addi %mul3A_89, %add3A_90 : i32
      %mul3A_92 = arith.constant 16 : i32
      %mul3A_93 = arith.muli %add3A_91, %mul3A_92 : i32
      %get3A_94 = arith.index_cast %mul3A_93 : i32 to index
      %get3A_95 = tpu.vector_load %arg5[%get3A_94] {strides = array<i32>} : memref<4096xi32, #tpu.memory_space<vmem>>, vector<16xi32>,
      %get3A_96 = arith.index_cast %mul3A_93 : i32 to index
      %get3A_97 = tpu.vector_load %arg6[%get3A_96] {strides = array<i32>} : memref<4096xi32, #tpu.memory_space<vmem>>, vector<16xi32>,
      %sub3A_98 = vector.broadcast %mul3A_2 : i32 to vector<16xi32>
      %sub3A_99 = arith.subi %get3A_97, %sub3A_98 : vector<16xi32>
      %ge3A_100 = arith.constant 0 : i32
      %ge3A_101 = vector.broadcast %ge3A_100 : i32 to vector<16xi32>
      %ge3A_102 = arith.cmpi sge, %sub3A_99, %ge3A_101 : vector<16xi32>
      %lt3A_103 = arith.constant 8 : i32
      %lt3A_104 = vector.broadcast %lt3A_103 : i32 to vector<16xi32>
      %lt3A_105 = arith.cmpi slt, %sub3A_99, %lt3A_104 : vector<16xi32>
      %and3A_106 = arith.andi %ge3A_102, %lt3A_105 : vector<16xi1>
      %mul3A_107 = arith.constant 256 : i32
      %mul3A_108 = vector.broadcast %mul3A_107 : i32 to vector<16xi32>
      %mul3A_109 = arith.muli %sub3A_99, %mul3A_108 : vector<16xi32>
      %add3A_110 = arith.addi %mul3A_8, %mul3A_109 : vector<16xi32>
      %add3A_111 = arith.addi %add3A_110, %get3A_95 : vector<16xi32>
      %select_n3A_112 = arith.select %and3A_106, %add3A_111, %mul3A_8 : vector<16xi1>, vector<16xi32>
      tpu.vector_store_idx %arg7[%select_n3A_112], %broadcast_in_dim3A_5 masked %and3A_106 {add = true} : memref<32768xf32, #tpu.memory_space<vmem>>[vector<16xi32>], vector<16xf32>, vector<16xi1>
      %mul3A_113 = arith.constant 8 : i32
      %mul3A_114 = arith.muli %scan3A_40, %mul3A_113 : i32
      %add3A_115 = arith.constant 3 : i32
      %add3A_116 = arith.addi %mul3A_114, %add3A_115 : i32
      %mul3A_117 = arith.constant 16 : i32
      %mul3A_118 = arith.muli %add3A_116, %mul3A_117 : i32
      %get3A_119 = arith.index_cast %mul3A_118 : i32 to index
      %get3A_120 = tpu.vector_load %arg5[%get3A_119] {strides = array<i32>} : memref<4096xi32, #tpu.memory_space<vmem>>, vector<16xi32>,
      %get3A_121 = arith.index_cast %mul3A_118 : i32 to index
      %get3A_122 = tpu.vector_load %arg6[%get3A_121] {strides = array<i32>} : memref<4096xi32, #tpu.memory_space<vmem>>, vector<16xi32>,
      %sub3A_123 = vector.broadcast %mul3A_2 : i32 to vector<16xi32>
      %sub3A_124 = arith.subi %get3A_122, %sub3A_123 : vector<16xi32>
      %ge3A_125 = arith.constant 0 : i32
      %ge3A_126 = vector.broadcast %ge3A_125 : i32 to vector<16xi32>
      %ge3A_127 = arith.cmpi sge, %sub3A_124, %ge3A_126 : vector<16xi32>
      %lt3A_128 = arith.constant 8 : i32
      %lt3A_129 = vector.broadcast %lt3A_128 : i32 to vector<16xi32>
      %lt3A_130 = arith.cmpi slt, %sub3A_124, %lt3A_129 : vector<16xi32>
      %and3A_131 = arith.andi %ge3A_127, %lt3A_130 : vector<16xi1>
      %mul3A_132 = arith.constant 256 : i32
      %mul3A_133 = vector.broadcast %mul3A_132 : i32 to vector<16xi32>
      %mul3A_134 = arith.muli %sub3A_124, %mul3A_133 : vector<16xi32>
      %add3A_135 = arith.addi %mul3A_8, %mul3A_134 : vector<16xi32>
      %add3A_136 = arith.addi %add3A_135, %get3A_120 : vector<16xi32>
      %select_n3A_137 = arith.select %and3A_131, %add3A_136, %mul3A_8 : vector<16xi1>, vector<16xi32>
      tpu.vector_store_idx %arg7[%select_n3A_137], %broadcast_in_dim3A_5 masked %and3A_131 {add = true} : memref<32768xf32, #tpu.memory_space<vmem>>[vector<16xi32>], vector<16xf32>, vector<16xi1>
      %mul3A_138 = arith.constant 8 : i32
      %mul3A_139 = arith.muli %scan3A_40, %mul3A_138 : i32
      %add3A_140 = arith.constant 4 : i32
      %add3A_141 = arith.addi %mul3A_139, %add3A_140 : i32
      %mul3A_142 = arith.constant 16 : i32
      %mul3A_143 = arith.muli %add3A_141, %mul3A_142 : i32
      %get3A_144 = arith.index_cast %mul3A_143 : i32 to index
      %get3A_145 = tpu.vector_load %arg5[%get3A_144] {strides = array<i32>} : memref<4096xi32, #tpu.memory_space<vmem>>, vector<16xi32>,
      %get3A_146 = arith.index_cast %mul3A_143 : i32 to index
      %get3A_147 = tpu.vector_load %arg6[%get3A_146] {strides = array<i32>} : memref<4096xi32, #tpu.memory_space<vmem>>, vector<16xi32>,
      %sub3A_148 = vector.broadcast %mul3A_2 : i32 to vector<16xi32>
      %sub3A_149 = arith.subi %get3A_147, %sub3A_148 : vector<16xi32>
      %ge3A_150 = arith.constant 0 : i32
      %ge3A_151 = vector.broadcast %ge3A_150 : i32 to vector<16xi32>
      %ge3A_152 = arith.cmpi sge, %sub3A_149, %ge3A_151 : vector<16xi32>
      %lt3A_153 = arith.constant 8 : i32
      %lt3A_154 = vector.broadcast %lt3A_153 : i32 to vector<16xi32>
      %lt3A_155 = arith.cmpi slt, %sub3A_149, %lt3A_154 : vector<16xi32>
      %and3A_156 = arith.andi %ge3A_152, %lt3A_155 : vector<16xi1>
      %mul3A_157 = arith.constant 256 : i32
      %mul3A_158 = vector.broadcast %mul3A_157 : i32 to vector<16xi32>
      %mul3A_159 = arith.muli %sub3A_149, %mul3A_158 : vector<16xi32>
      %add3A_160 = arith.addi %mul3A_8, %mul3A_159 : vector<16xi32>
      %add3A_161 = arith.addi %add3A_160, %get3A_145 : vector<16xi32>
      %select_n3A_162 = arith.select %and3A_156, %add3A_161, %mul3A_8 : vector<16xi1>, vector<16xi32>
      tpu.vector_store_idx %arg7[%select_n3A_162], %broadcast_in_dim3A_5 masked %and3A_156 {add = true} : memref<32768xf32, #tpu.memory_space<vmem>>[vector<16xi32>], vector<16xf32>, vector<16xi1>
      %mul3A_163 = arith.constant 8 : i32
      %mul3A_164 = arith.muli %scan3A_40, %mul3A_163 : i32
      %add3A_165 = arith.constant 5 : i32
      %add3A_166 = arith.addi %mul3A_164, %add3A_165 : i32
      %mul3A_167 = arith.constant 16 : i32
      %mul3A_168 = arith.muli %add3A_166, %mul3A_167 : i32
      %get3A_169 = arith.index_cast %mul3A_168 : i32 to index
      %get3A_170 = tpu.vector_load %arg5[%get3A_169] {strides = array<i32>} : memref<4096xi32, #tpu.memory_space<vmem>>, vector<16xi32>,
      %get3A_171 = arith.index_cast %mul3A_168 : i32 to index
      %get3A_172 = tpu.vector_load %arg6[%get3A_171] {strides = array<i32>} : memref<4096xi32, #tpu.memory_space<vmem>>, vector<16xi32>,
      %sub3A_173 = vector.broadcast %mul3A_2 : i32 to vector<16xi32>
      %sub3A_174 = arith.subi %get3A_172, %sub3A_173 : vector<16xi32>
      %ge3A_175 = arith.constant 0 : i32
      %ge3A_176 = vector.broadcast %ge3A_175 : i32 to vector<16xi32>
      %ge3A_177 = arith.cmpi sge, %sub3A_174, %ge3A_176 : vector<16xi32>
      %lt3A_178 = arith.constant 8 : i32
      %lt3A_179 = vector.broadcast %lt3A_178 : i32 to vector<16xi32>
      %lt3A_180 = arith.cmpi slt, %sub3A_174, %lt3A_179 : vector<16xi32>
      %and3A_181 = arith.andi %ge3A_177, %lt3A_180 : vector<16xi1>
      %mul3A_182 = arith.constant 256 : i32
      %mul3A_183 = vector.broadcast %mul3A_182 : i32 to vector<16xi32>
      %mul3A_184 = arith.muli %sub3A_174, %mul3A_183 : vector<16xi32>
      %add3A_185 = arith.addi %mul3A_8, %mul3A_184 : vector<16xi32>
      %add3A_186 = arith.addi %add3A_185, %get3A_170 : vector<16xi32>
      %select_n3A_187 = arith.select %and3A_181, %add3A_186, %mul3A_8 : vector<16xi1>, vector<16xi32>
      tpu.vector_store_idx %arg7[%select_n3A_187], %broadcast_in_dim3A_5 masked %and3A_181 {add = true} : memref<32768xf32, #tpu.memory_space<vmem>>[vector<16xi32>], vector<16xf32>, vector<16xi1>
      %mul3A_188 = arith.constant 8 : i32
      %mul3A_189 = arith.muli %scan3A_40, %mul3A_188 : i32
      %add3A_190 = arith.constant 6 : i32
      %add3A_191 = arith.addi %mul3A_189, %add3A_190 : i32
      %mul3A_192 = arith.constant 16 : i32
      %mul3A_193 = arith.muli %add3A_191, %mul3A_192 : i32
      %get3A_194 = arith.index_cast %mul3A_193 : i32 to index
      %get3A_195 = tpu.vector_load %arg5[%get3A_194] {strides = array<i32>} : memref<4096xi32, #tpu.memory_space<vmem>>, vector<16xi32>,
      %get3A_196 = arith.index_cast %mul3A_193 : i32 to index
      %get3A_197 = tpu.vector_load %arg6[%get3A_196] {strides = array<i32>} : memref<4096xi32, #tpu.memory_space<vmem>>, vector<16xi32>,
      %sub3A_198 = vector.broadcast %mul3A_2 : i32 to vector<16xi32>
      %sub3A_199 = arith.subi %get3A_197, %sub3A_198 : vector<16xi32>
      %ge3A_200 = arith.constant 0 : i32
      %ge3A_201 = vector.broadcast %ge3A_200 : i32 to vector<16xi32>
      %ge3A_202 = arith.cmpi sge, %sub3A_199, %ge3A_201 : vector<16xi32>
      %lt3A_203 = arith.constant 8 : i32
      %lt3A_204 = vector.broadcast %lt3A_203 : i32 to vector<16xi32>
      %lt3A_205 = arith.cmpi slt, %sub3A_199, %lt3A_204 : vector<16xi32>
      %and3A_206 = arith.andi %ge3A_202, %lt3A_205 : vector<16xi1>
      %mul3A_207 = arith.constant 256 : i32
      %mul3A_208 = vector.broadcast %mul3A_207 : i32 to vector<16xi32>
      %mul3A_209 = arith.muli %sub3A_199, %mul3A_208 : vector<16xi32>
      %add3A_210 = arith.addi %mul3A_8, %mul3A_209 : vector<16xi32>
      %add3A_211 = arith.addi %add3A_210, %get3A_195 : vector<16xi32>
      %select_n3A_212 = arith.select %and3A_206, %add3A_211, %mul3A_8 : vector<16xi1>, vector<16xi32>
      tpu.vector_store_idx %arg7[%select_n3A_212], %broadcast_in_dim3A_5 masked %and3A_206 {add = true} : memref<32768xf32, #tpu.memory_space<vmem>>[vector<16xi32>], vector<16xf32>, vector<16xi1>
      %mul3A_213 = arith.constant 8 : i32
      %mul3A_214 = arith.muli %scan3A_40, %mul3A_213 : i32
      %add3A_215 = arith.constant 7 : i32
      %add3A_216 = arith.addi %mul3A_214, %add3A_215 : i32
      %mul3A_217 = arith.constant 16 : i32
      %mul3A_218 = arith.muli %add3A_216, %mul3A_217 : i32
      %get3A_219 = arith.index_cast %mul3A_218 : i32 to index
      %get3A_220 = tpu.vector_load %arg5[%get3A_219] {strides = array<i32>} : memref<4096xi32, #tpu.memory_space<vmem>>, vector<16xi32>,
      %get3A_221 = arith.index_cast %mul3A_218 : i32 to index
      %get3A_222 = tpu.vector_load %arg6[%get3A_221] {strides = array<i32>} : memref<4096xi32, #tpu.memory_space<vmem>>, vector<16xi32>,
      %sub3A_223 = vector.broadcast %mul3A_2 : i32 to vector<16xi32>
      %sub3A_224 = arith.subi %get3A_222, %sub3A_223 : vector<16xi32>
      %ge3A_225 = arith.constant 0 : i32
      %ge3A_226 = vector.broadcast %ge3A_225 : i32 to vector<16xi32>
      %ge3A_227 = arith.cmpi sge, %sub3A_224, %ge3A_226 : vector<16xi32>
      %lt3A_228 = arith.constant 8 : i32
      %lt3A_229 = vector.broadcast %lt3A_228 : i32 to vector<16xi32>
      %lt3A_230 = arith.cmpi slt, %sub3A_224, %lt3A_229 : vector<16xi32>
      %and3A_231 = arith.andi %ge3A_227, %lt3A_230 : vector<16xi1>
      %mul3A_232 = arith.constant 256 : i32
      %mul3A_233 = vector.broadcast %mul3A_232 : i32 to vector<16xi32>
      %mul3A_234 = arith.muli %sub3A_224, %mul3A_233 : vector<16xi32>
      %add3A_235 = arith.addi %mul3A_8, %mul3A_234 : vector<16xi32>
      %add3A_236 = arith.addi %add3A_235, %get3A_220 : vector<16xi32>
      %select_n3A_237 = arith.select %and3A_231, %add3A_236, %mul3A_8 : vector<16xi1>, vector<16xi32>
      tpu.vector_store_idx %arg7[%select_n3A_237], %broadcast_in_dim3A_5 masked %and3A_231 {add = true} : memref<32768xf32, #tpu.memory_space<vmem>>[vector<16xi32>], vector<16xf32>, vector<16xi1>
      %scan3A_238 = arith.constant 0 : i32
      scf.yield %scan3A_238 : i32
    }
    %scan3A_30 = arith.constant 32 : i32
    %scan3A_31 = arith.constant 0 : i32
    %scan3A_32 = arith.constant 0 : i32
    %scan3A_33 = arith.constant 32 : i32
    %scan3A_34 = arith.addi %scan3A_32, %scan3A_33 : i32
    %scan3A_35 = arith.constant 1 : i32
    %scan3A_36 = scf.for %scan3A_40 = %scan3A_32 to %scan3A_34 step %scan3A_35 iter_args(%scan3A_41 = %scan3A_31) -> (i32)  : i32 {
      %mul3A_42 = arith.constant 4 : i32
      %mul3A_43 = arith.muli %scan3A_40, %mul3A_42 : i32
      %add3A_44 = arith.constant 0 : i32
      %add3A_45 = arith.addi %mul3A_43, %add3A_44 : i32
      %mul3A_46 = arith.constant 16 : i32
      %mul3A_47 = arith.muli %add3A_45, %mul3A_46 : i32
      %add3A_48 = arith.constant 0 : i32
      %add3A_49 = arith.addi %add3A_48, %mul3A_47 : i32
      %get3A = arith.index_cast %add3A_49 : i32 to index
      %get3A_50 = tpu.vector_load %arg7[%get3A] {strides = array<i32>} : memref<32768xf32, #tpu.memory_space<vmem>>, vector<16xf32>,
      %add3A_51 = arith.addf %broadcast_in_dim3A_3, %get3A_50 : vector<16xf32>
      %mul3A_52 = arith.constant 16 : i32
      %mul3A_53 = arith.muli %add3A_45, %mul3A_52 : i32
      %add3A_54 = arith.constant 2048 : i32
      %add3A_55 = arith.addi %add3A_54, %mul3A_53 : i32
      %get3A_56 = arith.index_cast %add3A_55 : i32 to index
      %get3A_57 = tpu.vector_load %arg7[%get3A_56] {strides = array<i32>} : memref<32768xf32, #tpu.memory_space<vmem>>, vector<16xf32>,
      %add3A_58 = arith.addf %add3A_51, %get3A_57 : vector<16xf32>
      %mul3A_59 = arith.constant 16 : i32
      %mul3A_60 = arith.muli %add3A_45, %mul3A_59 : i32
      %add3A_61 = arith.constant 4096 : i32
      %add3A_62 = arith.addi %add3A_61, %mul3A_60 : i32
      %get3A_63 = arith.index_cast %add3A_62 : i32 to index
      %get3A_64 = tpu.vector_load %arg7[%get3A_63] {strides = array<i32>} : memref<32768xf32, #tpu.memory_space<vmem>>, vector<16xf32>,
      %add3A_65 = arith.addf %add3A_58, %get3A_64 : vector<16xf32>
      %mul3A_66 = arith.constant 16 : i32
      %mul3A_67 = arith.muli %add3A_45, %mul3A_66 : i32
      %add3A_68 = arith.constant 6144 : i32
      %add3A_69 = arith.addi %add3A_68, %mul3A_67 : i32
      %get3A_70 = arith.index_cast %add3A_69 : i32 to index
      %get3A_71 = tpu.vector_load %arg7[%get3A_70] {strides = array<i32>} : memref<32768xf32, #tpu.memory_space<vmem>>, vector<16xf32>,
      %add3A_72 = arith.addf %add3A_65, %get3A_71 : vector<16xf32>
      %mul3A_73 = arith.constant 16 : i32
      %mul3A_74 = arith.muli %add3A_45, %mul3A_73 : i32
      %add3A_75 = arith.constant 8192 : i32
      %add3A_76 = arith.addi %add3A_75, %mul3A_74 : i32
      %get3A_77 = arith.index_cast %add3A_76 : i32 to index
      %get3A_78 = tpu.vector_load %arg7[%get3A_77] {strides = array<i32>} : memref<32768xf32, #tpu.memory_space<vmem>>, vector<16xf32>,
      %add3A_79 = arith.addf %add3A_72, %get3A_78 : vector<16xf32>
      %mul3A_80 = arith.constant 16 : i32
      %mul3A_81 = arith.muli %add3A_45, %mul3A_80 : i32
      %add3A_82 = arith.constant 10240 : i32
      %add3A_83 = arith.addi %add3A_82, %mul3A_81 : i32
      %get3A_84 = arith.index_cast %add3A_83 : i32 to index
      %get3A_85 = tpu.vector_load %arg7[%get3A_84] {strides = array<i32>} : memref<32768xf32, #tpu.memory_space<vmem>>, vector<16xf32>,
      %add3A_86 = arith.addf %add3A_79, %get3A_85 : vector<16xf32>
      %mul3A_87 = arith.constant 16 : i32
      %mul3A_88 = arith.muli %add3A_45, %mul3A_87 : i32
      %add3A_89 = arith.constant 12288 : i32
      %add3A_90 = arith.addi %add3A_89, %mul3A_88 : i32
      %get3A_91 = arith.index_cast %add3A_90 : i32 to index
      %get3A_92 = tpu.vector_load %arg7[%get3A_91] {strides = array<i32>} : memref<32768xf32, #tpu.memory_space<vmem>>, vector<16xf32>,
      %add3A_93 = arith.addf %add3A_86, %get3A_92 : vector<16xf32>
      %mul3A_94 = arith.constant 16 : i32
      %mul3A_95 = arith.muli %add3A_45, %mul3A_94 : i32
      %add3A_96 = arith.constant 14336 : i32
      %add3A_97 = arith.addi %add3A_96, %mul3A_95 : i32
      %get3A_98 = arith.index_cast %add3A_97 : i32 to index
      %get3A_99 = tpu.vector_load %arg7[%get3A_98] {strides = array<i32>} : memref<32768xf32, #tpu.memory_space<vmem>>, vector<16xf32>,
      %add3A_100 = arith.addf %add3A_93, %get3A_99 : vector<16xf32>
      %mul3A_101 = arith.constant 16 : i32
      %mul3A_102 = arith.muli %add3A_45, %mul3A_101 : i32
      %add3A_103 = arith.constant 16384 : i32
      %add3A_104 = arith.addi %add3A_103, %mul3A_102 : i32
      %get3A_105 = arith.index_cast %add3A_104 : i32 to index
      %get3A_106 = tpu.vector_load %arg7[%get3A_105] {strides = array<i32>} : memref<32768xf32, #tpu.memory_space<vmem>>, vector<16xf32>,
      %add3A_107 = arith.addf %add3A_100, %get3A_106 : vector<16xf32>
      %mul3A_108 = arith.constant 16 : i32
      %mul3A_109 = arith.muli %add3A_45, %mul3A_108 : i32
      %add3A_110 = arith.constant 18432 : i32
      %add3A_111 = arith.addi %add3A_110, %mul3A_109 : i32
      %get3A_112 = arith.index_cast %add3A_111 : i32 to index
      %get3A_113 = tpu.vector_load %arg7[%get3A_112] {strides = array<i32>} : memref<32768xf32, #tpu.memory_space<vmem>>, vector<16xf32>,
      %add3A_114 = arith.addf %add3A_107, %get3A_113 : vector<16xf32>
      %mul3A_115 = arith.constant 16 : i32
      %mul3A_116 = arith.muli %add3A_45, %mul3A_115 : i32
      %add3A_117 = arith.constant 20480 : i32
      %add3A_118 = arith.addi %add3A_117, %mul3A_116 : i32
      %get3A_119 = arith.index_cast %add3A_118 : i32 to index
      %get3A_120 = tpu.vector_load %arg7[%get3A_119] {strides = array<i32>} : memref<32768xf32, #tpu.memory_space<vmem>>, vector<16xf32>,
      %add3A_121 = arith.addf %add3A_114, %get3A_120 : vector<16xf32>
      %mul3A_122 = arith.constant 16 : i32
      %mul3A_123 = arith.muli %add3A_45, %mul3A_122 : i32
      %add3A_124 = arith.constant 22528 : i32
      %add3A_125 = arith.addi %add3A_124, %mul3A_123 : i32
      %get3A_126 = arith.index_cast %add3A_125 : i32 to index
      %get3A_127 = tpu.vector_load %arg7[%get3A_126] {strides = array<i32>} : memref<32768xf32, #tpu.memory_space<vmem>>, vector<16xf32>,
      %add3A_128 = arith.addf %add3A_121, %get3A_127 : vector<16xf32>
      %mul3A_129 = arith.constant 16 : i32
      %mul3A_130 = arith.muli %add3A_45, %mul3A_129 : i32
      %add3A_131 = arith.constant 24576 : i32
      %add3A_132 = arith.addi %add3A_131, %mul3A_130 : i32
      %get3A_133 = arith.index_cast %add3A_132 : i32 to index
      %get3A_134 = tpu.vector_load %arg7[%get3A_133] {strides = array<i32>} : memref<32768xf32, #tpu.memory_space<vmem>>, vector<16xf32>,
      %add3A_135 = arith.addf %add3A_128, %get3A_134 : vector<16xf32>
      %mul3A_136 = arith.constant 16 : i32
      %mul3A_137 = arith.muli %add3A_45, %mul3A_136 : i32
      %add3A_138 = arith.constant 26624 : i32
      %add3A_139 = arith.addi %add3A_138, %mul3A_137 : i32
      %get3A_140 = arith.index_cast %add3A_139 : i32 to index
      %get3A_141 = tpu.vector_load %arg7[%get3A_140] {strides = array<i32>} : memref<32768xf32, #tpu.memory_space<vmem>>, vector<16xf32>,
      %add3A_142 = arith.addf %add3A_135, %get3A_141 : vector<16xf32>
      %mul3A_143 = arith.constant 16 : i32
      %mul3A_144 = arith.muli %add3A_45, %mul3A_143 : i32
      %add3A_145 = arith.constant 28672 : i32
      %add3A_146 = arith.addi %add3A_145, %mul3A_144 : i32
      %get3A_147 = arith.index_cast %add3A_146 : i32 to index
      %get3A_148 = tpu.vector_load %arg7[%get3A_147] {strides = array<i32>} : memref<32768xf32, #tpu.memory_space<vmem>>, vector<16xf32>,
      %add3A_149 = arith.addf %add3A_142, %get3A_148 : vector<16xf32>
      %mul3A_150 = arith.constant 16 : i32
      %mul3A_151 = arith.muli %add3A_45, %mul3A_150 : i32
      %add3A_152 = arith.constant 30720 : i32
      %add3A_153 = arith.addi %add3A_152, %mul3A_151 : i32
      %get3A_154 = arith.index_cast %add3A_153 : i32 to index
      %get3A_155 = tpu.vector_load %arg7[%get3A_154] {strides = array<i32>} : memref<32768xf32, #tpu.memory_space<vmem>>, vector<16xf32>,
      %add3A_156 = arith.addf %add3A_149, %get3A_155 : vector<16xf32>
      %mul3A_157 = arith.constant 16 : i32
      %mul3A_158 = arith.muli %add3A_45, %mul3A_157 : i32
      %swap3A = arith.index_cast %mul3A_158 : i32 to index
      %swap3A_159 = tpu.vector_load %arg8[%swap3A] {strides = array<i32>} : memref<2048xf32, #tpu.memory_space<vmem>>, vector<16xf32>,
      tpu.vector_store %arg8[%swap3A], %add3A_156 {strides = array<i32>} : memref<2048xf32, #tpu.memory_space<vmem>>, vector<16xf32>,
      %mul3A_160 = arith.constant 4 : i32
      %mul3A_161 = arith.muli %scan3A_40, %mul3A_160 : i32
      %add3A_162 = arith.constant 1 : i32
      %add3A_163 = arith.addi %mul3A_161, %add3A_162 : i32
      %mul3A_164 = arith.constant 16 : i32
      %mul3A_165 = arith.muli %add3A_163, %mul3A_164 : i32
      %add3A_166 = arith.constant 0 : i32
      %add3A_167 = arith.addi %add3A_166, %mul3A_165 : i32
      %get3A_168 = arith.index_cast %add3A_167 : i32 to index
      %get3A_169 = tpu.vector_load %arg7[%get3A_168] {strides = array<i32>} : memref<32768xf32, #tpu.memory_space<vmem>>, vector<16xf32>,
      %add3A_170 = arith.addf %broadcast_in_dim3A_3, %get3A_169 : vector<16xf32>
      %mul3A_171 = arith.constant 16 : i32
      %mul3A_172 = arith.muli %add3A_163, %mul3A_171 : i32
      %add3A_173 = arith.constant 2048 : i32
      %add3A_174 = arith.addi %add3A_173, %mul3A_172 : i32
      %get3A_175 = arith.index_cast %add3A_174 : i32 to index
      %get3A_176 = tpu.vector_load %arg7[%get3A_175] {strides = array<i32>} : memref<32768xf32, #tpu.memory_space<vmem>>, vector<16xf32>,
      %add3A_177 = arith.addf %add3A_170, %get3A_176 : vector<16xf32>
      %mul3A_178 = arith.constant 16 : i32
      %mul3A_179 = arith.muli %add3A_163, %mul3A_178 : i32
      %add3A_180 = arith.constant 4096 : i32
      %add3A_181 = arith.addi %add3A_180, %mul3A_179 : i32
      %get3A_182 = arith.index_cast %add3A_181 : i32 to index
      %get3A_183 = tpu.vector_load %arg7[%get3A_182] {strides = array<i32>} : memref<32768xf32, #tpu.memory_space<vmem>>, vector<16xf32>,
      %add3A_184 = arith.addf %add3A_177, %get3A_183 : vector<16xf32>
      %mul3A_185 = arith.constant 16 : i32
      %mul3A_186 = arith.muli %add3A_163, %mul3A_185 : i32
      %add3A_187 = arith.constant 6144 : i32
      %add3A_188 = arith.addi %add3A_187, %mul3A_186 : i32
      %get3A_189 = arith.index_cast %add3A_188 : i32 to index
      %get3A_190 = tpu.vector_load %arg7[%get3A_189] {strides = array<i32>} : memref<32768xf32, #tpu.memory_space<vmem>>, vector<16xf32>,
      %add3A_191 = arith.addf %add3A_184, %get3A_190 : vector<16xf32>
      %mul3A_192 = arith.constant 16 : i32
      %mul3A_193 = arith.muli %add3A_163, %mul3A_192 : i32
      %add3A_194 = arith.constant 8192 : i32
      %add3A_195 = arith.addi %add3A_194, %mul3A_193 : i32
      %get3A_196 = arith.index_cast %add3A_195 : i32 to index
      %get3A_197 = tpu.vector_load %arg7[%get3A_196] {strides = array<i32>} : memref<32768xf32, #tpu.memory_space<vmem>>, vector<16xf32>,
      %add3A_198 = arith.addf %add3A_191, %get3A_197 : vector<16xf32>
      %mul3A_199 = arith.constant 16 : i32
      %mul3A_200 = arith.muli %add3A_163, %mul3A_199 : i32
      %add3A_201 = arith.constant 10240 : i32
      %add3A_202 = arith.addi %add3A_201, %mul3A_200 : i32
      %get3A_203 = arith.index_cast %add3A_202 : i32 to index
      %get3A_204 = tpu.vector_load %arg7[%get3A_203] {strides = array<i32>} : memref<32768xf32, #tpu.memory_space<vmem>>, vector<16xf32>,
      %add3A_205 = arith.addf %add3A_198, %get3A_204 : vector<16xf32>
      %mul3A_206 = arith.constant 16 : i32
      %mul3A_207 = arith.muli %add3A_163, %mul3A_206 : i32
      %add3A_208 = arith.constant 12288 : i32
      %add3A_209 = arith.addi %add3A_208, %mul3A_207 : i32
      %get3A_210 = arith.index_cast %add3A_209 : i32 to index
      %get3A_211 = tpu.vector_load %arg7[%get3A_210] {strides = array<i32>} : memref<32768xf32, #tpu.memory_space<vmem>>, vector<16xf32>,
      %add3A_212 = arith.addf %add3A_205, %get3A_211 : vector<16xf32>
      %mul3A_213 = arith.constant 16 : i32
      %mul3A_214 = arith.muli %add3A_163, %mul3A_213 : i32
      %add3A_215 = arith.constant 14336 : i32
      %add3A_216 = arith.addi %add3A_215, %mul3A_214 : i32
      %get3A_217 = arith.index_cast %add3A_216 : i32 to index
      %get3A_218 = tpu.vector_load %arg7[%get3A_217] {strides = array<i32>} : memref<32768xf32, #tpu.memory_space<vmem>>, vector<16xf32>,
      %add3A_219 = arith.addf %add3A_212, %get3A_218 : vector<16xf32>
      %mul3A_220 = arith.constant 16 : i32
      %mul3A_221 = arith.muli %add3A_163, %mul3A_220 : i32
      %add3A_222 = arith.constant 16384 : i32
      %add3A_223 = arith.addi %add3A_222, %mul3A_221 : i32
      %get3A_224 = arith.index_cast %add3A_223 : i32 to index
      %get3A_225 = tpu.vector_load %arg7[%get3A_224] {strides = array<i32>} : memref<32768xf32, #tpu.memory_space<vmem>>, vector<16xf32>,
      %add3A_226 = arith.addf %add3A_219, %get3A_225 : vector<16xf32>
      %mul3A_227 = arith.constant 16 : i32
      %mul3A_228 = arith.muli %add3A_163, %mul3A_227 : i32
      %add3A_229 = arith.constant 18432 : i32
      %add3A_230 = arith.addi %add3A_229, %mul3A_228 : i32
      %get3A_231 = arith.index_cast %add3A_230 : i32 to index
      %get3A_232 = tpu.vector_load %arg7[%get3A_231] {strides = array<i32>} : memref<32768xf32, #tpu.memory_space<vmem>>, vector<16xf32>,
      %add3A_233 = arith.addf %add3A_226, %get3A_232 : vector<16xf32>
      %mul3A_234 = arith.constant 16 : i32
      %mul3A_235 = arith.muli %add3A_163, %mul3A_234 : i32
      %add3A_236 = arith.constant 20480 : i32
      %add3A_237 = arith.addi %add3A_236, %mul3A_235 : i32
      %get3A_238 = arith.index_cast %add3A_237 : i32 to index
      %get3A_239 = tpu.vector_load %arg7[%get3A_238] {strides = array<i32>} : memref<32768xf32, #tpu.memory_space<vmem>>, vector<16xf32>,
      %add3A_240 = arith.addf %add3A_233, %get3A_239 : vector<16xf32>
      %mul3A_241 = arith.constant 16 : i32
      %mul3A_242 = arith.muli %add3A_163, %mul3A_241 : i32
      %add3A_243 = arith.constant 22528 : i32
      %add3A_244 = arith.addi %add3A_243, %mul3A_242 : i32
      %get3A_245 = arith.index_cast %add3A_244 : i32 to index
      %get3A_246 = tpu.vector_load %arg7[%get3A_245] {strides = array<i32>} : memref<32768xf32, #tpu.memory_space<vmem>>, vector<16xf32>,
      %add3A_247 = arith.addf %add3A_240, %get3A_246 : vector<16xf32>
      %mul3A_248 = arith.constant 16 : i32
      %mul3A_249 = arith.muli %add3A_163, %mul3A_248 : i32
      %add3A_250 = arith.constant 24576 : i32
      %add3A_251 = arith.addi %add3A_250, %mul3A_249 : i32
      %get3A_252 = arith.index_cast %add3A_251 : i32 to index
      %get3A_253 = tpu.vector_load %arg7[%get3A_252] {strides = array<i32>} : memref<32768xf32, #tpu.memory_space<vmem>>, vector<16xf32>,
      %add3A_254 = arith.addf %add3A_247, %get3A_253 : vector<16xf32>
      %mul3A_255 = arith.constant 16 : i32
      %mul3A_256 = arith.muli %add3A_163, %mul3A_255 : i32
      %add3A_257 = arith.constant 26624 : i32
      %add3A_258 = arith.addi %add3A_257, %mul3A_256 : i32
      %get3A_259 = arith.index_cast %add3A_258 : i32 to index
      %get3A_260 = tpu.vector_load %arg7[%get3A_259] {strides = array<i32>} : memref<32768xf32, #tpu.memory_space<vmem>>, vector<16xf32>,
      %add3A_261 = arith.addf %add3A_254, %get3A_260 : vector<16xf32>
      %mul3A_262 = arith.constant 16 : i32
      %mul3A_263 = arith.muli %add3A_163, %mul3A_262 : i32
      %add3A_264 = arith.constant 28672 : i32
      %add3A_265 = arith.addi %add3A_264, %mul3A_263 : i32
      %get3A_266 = arith.index_cast %add3A_265 : i32 to index
      %get3A_267 = tpu.vector_load %arg7[%get3A_266] {strides = array<i32>} : memref<32768xf32, #tpu.memory_space<vmem>>, vector<16xf32>,
      %add3A_268 = arith.addf %add3A_261, %get3A_267 : vector<16xf32>
      %mul3A_269 = arith.constant 16 : i32
      %mul3A_270 = arith.muli %add3A_163, %mul3A_269 : i32
      %add3A_271 = arith.constant 30720 : i32
      %add3A_272 = arith.addi %add3A_271, %mul3A_270 : i32
      %get3A_273 = arith.index_cast %add3A_272 : i32 to index
      %get3A_274 = tpu.vector_load %arg7[%get3A_273] {strides = array<i32>} : memref<32768xf32, #tpu.memory_space<vmem>>, vector<16xf32>,
      %add3A_275 = arith.addf %add3A_268, %get3A_274 : vector<16xf32>
      %mul3A_276 = arith.constant 16 : i32
      %mul3A_277 = arith.muli %add3A_163, %mul3A_276 : i32
      %swap3A_278 = arith.index_cast %mul3A_277 : i32 to index
      %swap3A_279 = tpu.vector_load %arg8[%swap3A_278] {strides = array<i32>} : memref<2048xf32, #tpu.memory_space<vmem>>, vector<16xf32>,
      tpu.vector_store %arg8[%swap3A_278], %add3A_275 {strides = array<i32>} : memref<2048xf32, #tpu.memory_space<vmem>>, vector<16xf32>,
      %mul3A_280 = arith.constant 4 : i32
      %mul3A_281 = arith.muli %scan3A_40, %mul3A_280 : i32
      %add3A_282 = arith.constant 2 : i32
      %add3A_283 = arith.addi %mul3A_281, %add3A_282 : i32
      %mul3A_284 = arith.constant 16 : i32
      %mul3A_285 = arith.muli %add3A_283, %mul3A_284 : i32
      %add3A_286 = arith.constant 0 : i32
      %add3A_287 = arith.addi %add3A_286, %mul3A_285 : i32
      %get3A_288 = arith.index_cast %add3A_287 : i32 to index
      %get3A_289 = tpu.vector_load %arg7[%get3A_288] {strides = array<i32>} : memref<32768xf32, #tpu.memory_space<vmem>>, vector<16xf32>,
      %add3A_290 = arith.addf %broadcast_in_dim3A_3, %get3A_289 : vector<16xf32>
      %mul3A_291 = arith.constant 16 : i32
      %mul3A_292 = arith.muli %add3A_283, %mul3A_291 : i32
      %add3A_293 = arith.constant 2048 : i32
      %add3A_294 = arith.addi %add3A_293, %mul3A_292 : i32
      %get3A_295 = arith.index_cast %add3A_294 : i32 to index
      %get3A_296 = tpu.vector_load %arg7[%get3A_295] {strides = array<i32>} : memref<32768xf32, #tpu.memory_space<vmem>>, vector<16xf32>,
      %add3A_297 = arith.addf %add3A_290, %get3A_296 : vector<16xf32>
      %mul3A_298 = arith.constant 16 : i32
      %mul3A_299 = arith.muli %add3A_283, %mul3A_298 : i32
      %add3A_300 = arith.constant 4096 : i32
      %add3A_301 = arith.addi %add3A_300, %mul3A_299 : i32
      %get3A_302 = arith.index_cast %add3A_301 : i32 to index
      %get3A_303 = tpu.vector_load %arg7[%get3A_302] {strides = array<i32>} : memref<32768xf32, #tpu.memory_space<vmem>>, vector<16xf32>,
      %add3A_304 = arith.addf %add3A_297, %get3A_303 : vector<16xf32>
      %mul3A_305 = arith.constant 16 : i32
      %mul3A_306 = arith.muli %add3A_283, %mul3A_305 : i32
      %add3A_307 = arith.constant 6144 : i32
      %add3A_308 = arith.addi %add3A_307, %mul3A_306 : i32
      %get3A_309 = arith.index_cast %add3A_308 : i32 to index
      %get3A_310 = tpu.vector_load %arg7[%get3A_309] {strides = array<i32>} : memref<32768xf32, #tpu.memory_space<vmem>>, vector<16xf32>,
      %add3A_311 = arith.addf %add3A_304, %get3A_310 : vector<16xf32>
      %mul3A_312 = arith.constant 16 : i32
      %mul3A_313 = arith.muli %add3A_283, %mul3A_312 : i32
      %add3A_314 = arith.constant 8192 : i32
      %add3A_315 = arith.addi %add3A_314, %mul3A_313 : i32
      %get3A_316 = arith.index_cast %add3A_315 : i32 to index
      %get3A_317 = tpu.vector_load %arg7[%get3A_316] {strides = array<i32>} : memref<32768xf32, #tpu.memory_space<vmem>>, vector<16xf32>,
      %add3A_318 = arith.addf %add3A_311, %get3A_317 : vector<16xf32>
      %mul3A_319 = arith.constant 16 : i32
      %mul3A_320 = arith.muli %add3A_283, %mul3A_319 : i32
      %add3A_321 = arith.constant 10240 : i32
      %add3A_322 = arith.addi %add3A_321, %mul3A_320 : i32
      %get3A_323 = arith.index_cast %add3A_322 : i32 to index
      %get3A_324 = tpu.vector_load %arg7[%get3A_323] {strides = array<i32>} : memref<32768xf32, #tpu.memory_space<vmem>>, vector<16xf32>,
      %add3A_325 = arith.addf %add3A_318, %get3A_324 : vector<16xf32>
      %mul3A_326 = arith.constant 16 : i32
      %mul3A_327 = arith.muli %add3A_283, %mul3A_326 : i32
      %add3A_328 = arith.constant 12288 : i32
      %add3A_329 = arith.addi %add3A_328, %mul3A_327 : i32
      %get3A_330 = arith.index_cast %add3A_329 : i32 to index
      %get3A_331 = tpu.vector_load %arg7[%get3A_330] {strides = array<i32>} : memref<32768xf32, #tpu.memory_space<vmem>>, vector<16xf32>,
      %add3A_332 = arith.addf %add3A_325, %get3A_331 : vector<16xf32>
      %mul3A_333 = arith.constant 16 : i32
      %mul3A_334 = arith.muli %add3A_283, %mul3A_333 : i32
      %add3A_335 = arith.constant 14336 : i32
      %add3A_336 = arith.addi %add3A_335, %mul3A_334 : i32
      %get3A_337 = arith.index_cast %add3A_336 : i32 to index
      %get3A_338 = tpu.vector_load %arg7[%get3A_337] {strides = array<i32>} : memref<32768xf32, #tpu.memory_space<vmem>>, vector<16xf32>,
      %add3A_339 = arith.addf %add3A_332, %get3A_338 : vector<16xf32>
      %mul3A_340 = arith.constant 16 : i32
      %mul3A_341 = arith.muli %add3A_283, %mul3A_340 : i32
      %add3A_342 = arith.constant 16384 : i32
      %add3A_343 = arith.addi %add3A_342, %mul3A_341 : i32
      %get3A_344 = arith.index_cast %add3A_343 : i32 to index
      %get3A_345 = tpu.vector_load %arg7[%get3A_344] {strides = array<i32>} : memref<32768xf32, #tpu.memory_space<vmem>>, vector<16xf32>,
      %add3A_346 = arith.addf %add3A_339, %get3A_345 : vector<16xf32>
      %mul3A_347 = arith.constant 16 : i32
      %mul3A_348 = arith.muli %add3A_283, %mul3A_347 : i32
      %add3A_349 = arith.constant 18432 : i32
      %add3A_350 = arith.addi %add3A_349, %mul3A_348 : i32
      %get3A_351 = arith.index_cast %add3A_350 : i32 to index
      %get3A_352 = tpu.vector_load %arg7[%get3A_351] {strides = array<i32>} : memref<32768xf32, #tpu.memory_space<vmem>>, vector<16xf32>,
      %add3A_353 = arith.addf %add3A_346, %get3A_352 : vector<16xf32>
      %mul3A_354 = arith.constant 16 : i32
      %mul3A_355 = arith.muli %add3A_283, %mul3A_354 : i32
      %add3A_356 = arith.constant 20480 : i32
      %add3A_357 = arith.addi %add3A_356, %mul3A_355 : i32
      %get3A_358 = arith.index_cast %add3A_357 : i32 to index
      %get3A_359 = tpu.vector_load %arg7[%get3A_358] {strides = array<i32>} : memref<32768xf32, #tpu.memory_space<vmem>>, vector<16xf32>,
      %add3A_360 = arith.addf %add3A_353, %get3A_359 : vector<16xf32>
      %mul3A_361 = arith.constant 16 : i32
      %mul3A_362 = arith.muli %add3A_283, %mul3A_361 : i32
      %add3A_363 = arith.constant 22528 : i32
      %add3A_364 = arith.addi %add3A_363, %mul3A_362 : i32
      %get3A_365 = arith.index_cast %add3A_364 : i32 to index
      %get3A_366 = tpu.vector_load %arg7[%get3A_365] {strides = array<i32>} : memref<32768xf32, #tpu.memory_space<vmem>>, vector<16xf32>,
      %add3A_367 = arith.addf %add3A_360, %get3A_366 : vector<16xf32>
      %mul3A_368 = arith.constant 16 : i32
      %mul3A_369 = arith.muli %add3A_283, %mul3A_368 : i32
      %add3A_370 = arith.constant 24576 : i32
      %add3A_371 = arith.addi %add3A_370, %mul3A_369 : i32
      %get3A_372 = arith.index_cast %add3A_371 : i32 to index
      %get3A_373 = tpu.vector_load %arg7[%get3A_372] {strides = array<i32>} : memref<32768xf32, #tpu.memory_space<vmem>>, vector<16xf32>,
      %add3A_374 = arith.addf %add3A_367, %get3A_373 : vector<16xf32>
      %mul3A_375 = arith.constant 16 : i32
      %mul3A_376 = arith.muli %add3A_283, %mul3A_375 : i32
      %add3A_377 = arith.constant 26624 : i32
      %add3A_378 = arith.addi %add3A_377, %mul3A_376 : i32
      %get3A_379 = arith.index_cast %add3A_378 : i32 to index
      %get3A_380 = tpu.vector_load %arg7[%get3A_379] {strides = array<i32>} : memref<32768xf32, #tpu.memory_space<vmem>>, vector<16xf32>,
      %add3A_381 = arith.addf %add3A_374, %get3A_380 : vector<16xf32>
      %mul3A_382 = arith.constant 16 : i32
      %mul3A_383 = arith.muli %add3A_283, %mul3A_382 : i32
      %add3A_384 = arith.constant 28672 : i32
      %add3A_385 = arith.addi %add3A_384, %mul3A_383 : i32
      %get3A_386 = arith.index_cast %add3A_385 : i32 to index
      %get3A_387 = tpu.vector_load %arg7[%get3A_386] {strides = array<i32>} : memref<32768xf32, #tpu.memory_space<vmem>>, vector<16xf32>,
      %add3A_388 = arith.addf %add3A_381, %get3A_387 : vector<16xf32>
      %mul3A_389 = arith.constant 16 : i32
      %mul3A_390 = arith.muli %add3A_283, %mul3A_389 : i32
      %add3A_391 = arith.constant 30720 : i32
      %add3A_392 = arith.addi %add3A_391, %mul3A_390 : i32
      %get3A_393 = arith.index_cast %add3A_392 : i32 to index
      %get3A_394 = tpu.vector_load %arg7[%get3A_393] {strides = array<i32>} : memref<32768xf32, #tpu.memory_space<vmem>>, vector<16xf32>,
      %add3A_395 = arith.addf %add3A_388, %get3A_394 : vector<16xf32>
      %mul3A_396 = arith.constant 16 : i32
      %mul3A_397 = arith.muli %add3A_283, %mul3A_396 : i32
      %swap3A_398 = arith.index_cast %mul3A_397 : i32 to index
      %swap3A_399 = tpu.vector_load %arg8[%swap3A_398] {strides = array<i32>} : memref<2048xf32, #tpu.memory_space<vmem>>, vector<16xf32>,
      tpu.vector_store %arg8[%swap3A_398], %add3A_395 {strides = array<i32>} : memref<2048xf32, #tpu.memory_space<vmem>>, vector<16xf32>,
      %mul3A_400 = arith.constant 4 : i32
      %mul3A_401 = arith.muli %scan3A_40, %mul3A_400 : i32
      %add3A_402 = arith.constant 3 : i32
      %add3A_403 = arith.addi %mul3A_401, %add3A_402 : i32
      %mul3A_404 = arith.constant 16 : i32
      %mul3A_405 = arith.muli %add3A_403, %mul3A_404 : i32
      %add3A_406 = arith.constant 0 : i32
      %add3A_407 = arith.addi %add3A_406, %mul3A_405 : i32
      %get3A_408 = arith.index_cast %add3A_407 : i32 to index
      %get3A_409 = tpu.vector_load %arg7[%get3A_408] {strides = array<i32>} : memref<32768xf32, #tpu.memory_space<vmem>>, vector<16xf32>,
      %add3A_410 = arith.addf %broadcast_in_dim3A_3, %get3A_409 : vector<16xf32>
      %mul3A_411 = arith.constant 16 : i32
      %mul3A_412 = arith.muli %add3A_403, %mul3A_411 : i32
      %add3A_413 = arith.constant 2048 : i32
      %add3A_414 = arith.addi %add3A_413, %mul3A_412 : i32
      %get3A_415 = arith.index_cast %add3A_414 : i32 to index
      %get3A_416 = tpu.vector_load %arg7[%get3A_415] {strides = array<i32>} : memref<32768xf32, #tpu.memory_space<vmem>>, vector<16xf32>,
      %add3A_417 = arith.addf %add3A_410, %get3A_416 : vector<16xf32>
      %mul3A_418 = arith.constant 16 : i32
      %mul3A_419 = arith.muli %add3A_403, %mul3A_418 : i32
      %add3A_420 = arith.constant 4096 : i32
      %add3A_421 = arith.addi %add3A_420, %mul3A_419 : i32
      %get3A_422 = arith.index_cast %add3A_421 : i32 to index
      %get3A_423 = tpu.vector_load %arg7[%get3A_422] {strides = array<i32>} : memref<32768xf32, #tpu.memory_space<vmem>>, vector<16xf32>,
      %add3A_424 = arith.addf %add3A_417, %get3A_423 : vector<16xf32>
      %mul3A_425 = arith.constant 16 : i32
      %mul3A_426 = arith.muli %add3A_403, %mul3A_425 : i32
      %add3A_427 = arith.constant 6144 : i32
      %add3A_428 = arith.addi %add3A_427, %mul3A_426 : i32
      %get3A_429 = arith.index_cast %add3A_428 : i32 to index
      %get3A_430 = tpu.vector_load %arg7[%get3A_429] {strides = array<i32>} : memref<32768xf32, #tpu.memory_space<vmem>>, vector<16xf32>,
      %add3A_431 = arith.addf %add3A_424, %get3A_430 : vector<16xf32>
      %mul3A_432 = arith.constant 16 : i32
      %mul3A_433 = arith.muli %add3A_403, %mul3A_432 : i32
      %add3A_434 = arith.constant 8192 : i32
      %add3A_435 = arith.addi %add3A_434, %mul3A_433 : i32
      %get3A_436 = arith.index_cast %add3A_435 : i32 to index
      %get3A_437 = tpu.vector_load %arg7[%get3A_436] {strides = array<i32>} : memref<32768xf32, #tpu.memory_space<vmem>>, vector<16xf32>,
      %add3A_438 = arith.addf %add3A_431, %get3A_437 : vector<16xf32>
      %mul3A_439 = arith.constant 16 : i32
      %mul3A_440 = arith.muli %add3A_403, %mul3A_439 : i32
      %add3A_441 = arith.constant 10240 : i32
      %add3A_442 = arith.addi %add3A_441, %mul3A_440 : i32
      %get3A_443 = arith.index_cast %add3A_442 : i32 to index
      %get3A_444 = tpu.vector_load %arg7[%get3A_443] {strides = array<i32>} : memref<32768xf32, #tpu.memory_space<vmem>>, vector<16xf32>,
      %add3A_445 = arith.addf %add3A_438, %get3A_444 : vector<16xf32>
      %mul3A_446 = arith.constant 16 : i32
      %mul3A_447 = arith.muli %add3A_403, %mul3A_446 : i32
      %add3A_448 = arith.constant 12288 : i32
      %add3A_449 = arith.addi %add3A_448, %mul3A_447 : i32
      %get3A_450 = arith.index_cast %add3A_449 : i32 to index
      %get3A_451 = tpu.vector_load %arg7[%get3A_450] {strides = array<i32>} : memref<32768xf32, #tpu.memory_space<vmem>>, vector<16xf32>,
      %add3A_452 = arith.addf %add3A_445, %get3A_451 : vector<16xf32>
      %mul3A_453 = arith.constant 16 : i32
      %mul3A_454 = arith.muli %add3A_403, %mul3A_453 : i32
      %add3A_455 = arith.constant 14336 : i32
      %add3A_456 = arith.addi %add3A_455, %mul3A_454 : i32
      %get3A_457 = arith.index_cast %add3A_456 : i32 to index
      %get3A_458 = tpu.vector_load %arg7[%get3A_457] {strides = array<i32>} : memref<32768xf32, #tpu.memory_space<vmem>>, vector<16xf32>,
      %add3A_459 = arith.addf %add3A_452, %get3A_458 : vector<16xf32>
      %mul3A_460 = arith.constant 16 : i32
      %mul3A_461 = arith.muli %add3A_403, %mul3A_460 : i32
      %add3A_462 = arith.constant 16384 : i32
      %add3A_463 = arith.addi %add3A_462, %mul3A_461 : i32
      %get3A_464 = arith.index_cast %add3A_463 : i32 to index
      %get3A_465 = tpu.vector_load %arg7[%get3A_464] {strides = array<i32>} : memref<32768xf32, #tpu.memory_space<vmem>>, vector<16xf32>,
      %add3A_466 = arith.addf %add3A_459, %get3A_465 : vector<16xf32>
      %mul3A_467 = arith.constant 16 : i32
      %mul3A_468 = arith.muli %add3A_403, %mul3A_467 : i32
      %add3A_469 = arith.constant 18432 : i32
      %add3A_470 = arith.addi %add3A_469, %mul3A_468 : i32
      %get3A_471 = arith.index_cast %add3A_470 : i32 to index
      %get3A_472 = tpu.vector_load %arg7[%get3A_471] {strides = array<i32>} : memref<32768xf32, #tpu.memory_space<vmem>>, vector<16xf32>,
      %add3A_473 = arith.addf %add3A_466, %get3A_472 : vector<16xf32>
      %mul3A_474 = arith.constant 16 : i32
      %mul3A_475 = arith.muli %add3A_403, %mul3A_474 : i32
      %add3A_476 = arith.constant 20480 : i32
      %add3A_477 = arith.addi %add3A_476, %mul3A_475 : i32
      %get3A_478 = arith.index_cast %add3A_477 : i32 to index
      %get3A_479 = tpu.vector_load %arg7[%get3A_478] {strides = array<i32>} : memref<32768xf32, #tpu.memory_space<vmem>>, vector<16xf32>,
      %add3A_480 = arith.addf %add3A_473, %get3A_479 : vector<16xf32>
      %mul3A_481 = arith.constant 16 : i32
      %mul3A_482 = arith.muli %add3A_403, %mul3A_481 : i32
      %add3A_483 = arith.constant 22528 : i32
      %add3A_484 = arith.addi %add3A_483, %mul3A_482 : i32
      %get3A_485 = arith.index_cast %add3A_484 : i32 to index
      %get3A_486 = tpu.vector_load %arg7[%get3A_485] {strides = array<i32>} : memref<32768xf32, #tpu.memory_space<vmem>>, vector<16xf32>,
      %add3A_487 = arith.addf %add3A_480, %get3A_486 : vector<16xf32>
      %mul3A_488 = arith.constant 16 : i32
      %mul3A_489 = arith.muli %add3A_403, %mul3A_488 : i32
      %add3A_490 = arith.constant 24576 : i32
      %add3A_491 = arith.addi %add3A_490, %mul3A_489 : i32
      %get3A_492 = arith.index_cast %add3A_491 : i32 to index
      %get3A_493 = tpu.vector_load %arg7[%get3A_492] {strides = array<i32>} : memref<32768xf32, #tpu.memory_space<vmem>>, vector<16xf32>,
      %add3A_494 = arith.addf %add3A_487, %get3A_493 : vector<16xf32>
      %mul3A_495 = arith.constant 16 : i32
      %mul3A_496 = arith.muli %add3A_403, %mul3A_495 : i32
      %add3A_497 = arith.constant 26624 : i32
      %add3A_498 = arith.addi %add3A_497, %mul3A_496 : i32
      %get3A_499 = arith.index_cast %add3A_498 : i32 to index
      %get3A_500 = tpu.vector_load %arg7[%get3A_499] {strides = array<i32>} : memref<32768xf32, #tpu.memory_space<vmem>>, vector<16xf32>,
      %add3A_501 = arith.addf %add3A_494, %get3A_500 : vector<16xf32>
      %mul3A_502 = arith.constant 16 : i32
      %mul3A_503 = arith.muli %add3A_403, %mul3A_502 : i32
      %add3A_504 = arith.constant 28672 : i32
      %add3A_505 = arith.addi %add3A_504, %mul3A_503 : i32
      %get3A_506 = arith.index_cast %add3A_505 : i32 to index
      %get3A_507 = tpu.vector_load %arg7[%get3A_506] {strides = array<i32>} : memref<32768xf32, #tpu.memory_space<vmem>>, vector<16xf32>,
      %add3A_508 = arith.addf %add3A_501, %get3A_507 : vector<16xf32>
      %mul3A_509 = arith.constant 16 : i32
      %mul3A_510 = arith.muli %add3A_403, %mul3A_509 : i32
      %add3A_511 = arith.constant 30720 : i32
      %add3A_512 = arith.addi %add3A_511, %mul3A_510 : i32
      %get3A_513 = arith.index_cast %add3A_512 : i32 to index
      %get3A_514 = tpu.vector_load %arg7[%get3A_513] {strides = array<i32>} : memref<32768xf32, #tpu.memory_space<vmem>>, vector<16xf32>,
      %add3A_515 = arith.addf %add3A_508, %get3A_514 : vector<16xf32>
      %mul3A_516 = arith.constant 16 : i32
      %mul3A_517 = arith.muli %add3A_403, %mul3A_516 : i32
      %swap3A_518 = arith.index_cast %mul3A_517 : i32 to index
      %swap3A_519 = tpu.vector_load %arg8[%swap3A_518] {strides = array<i32>} : memref<2048xf32, #tpu.memory_space<vmem>>, vector<16xf32>,
      tpu.vector_store %arg8[%swap3A_518], %add3A_515 {strides = array<i32>} : memref<2048xf32, #tpu.memory_space<vmem>>, vector<16xf32>,
      %scan3A_520 = arith.constant 0 : i32
      scf.yield %scan3A_520 : i32
    }
    %scan3A_37 = arith.constant 32 : i32
    %mul3A_38 = arith.constant 256 : i32
    %mul3A_39 = arith.muli %mul3A_2, %mul3A_38 : i32
    "tpu.region"() ({
      %run_scoped3A = tpu.sem_alloc : memref<!tpu.dma_semaphore, #tpu.memory_space<semaphore_mem>>
      %dma_start3A = tpu.memref_slice %arg4[%mul3A_39] : memref<65536xf32, #tpu.memory_space<hbm>> -> memref<2048xf32, #tpu.memory_space<hbm>>
      %dma_start3A_40 = tpu.memref_slice %arg4[%mul3A_39] : memref<65536xf32, #tpu.memory_space<hbm>> -> memref<2048xf32, #tpu.memory_space<hbm>>
      tpu.enqueue_dma source(%arg8 : memref<2048xf32, #tpu.memory_space<vmem>>) target(%dma_start3A_40 : memref<2048xf32, #tpu.memory_space<hbm>>) target_semaphore(%run_scoped3A : memref<!tpu.dma_semaphore, #tpu.memory_space<semaphore_mem>>)
      %dma_wait3A = tpu.memref_slice %arg4[%mul3A_39] : memref<65536xf32, #tpu.memory_space<hbm>> -> memref<2048xf32, #tpu.memory_space<hbm>>
      %dma_wait3A_41 = tpu.memref_slice %arg4[%mul3A_39] : memref<65536xf32, #tpu.memory_space<hbm>> -> memref<2048xf32, #tpu.memory_space<hbm>>
      tpu.wait_dma2 semaphore(%run_scoped3A : memref<!tpu.dma_semaphore, #tpu.memory_space<semaphore_mem>>) src(%arg8 : memref<2048xf32, #tpu.memory_space<vmem>>) dst(%dma_wait3A_41 : memref<2048xf32, #tpu.memory_space<hbm>>)
      tpu.yield
    }) : () -> ()
    return
  }
}

module attributes {stable_mosaic.version = 14 : i64} {
  func.func @_tc_body(%arg0: i32, %arg1: memref<256x256xf32, #tpu.memory_space<vmem>>, %arg2: memref<32x24x256x128xf32, #tpu.memory_space<hbm>>, %arg3: memref<1x256x128xf32, #tpu.memory_space<vmem>>, %arg4: memref<128x128xf32, #tpu.memory_space<vmem>>, %arg5: memref<1x128xf32, #tpu.memory_space<vmem>>, %arg6: memref<1x256x128xf32, #tpu.memory_space<vmem>>, %arg7: memref<4x24x256x128xf32, #tpu.memory_space<vmem>>, %arg8: memref<4x!tpu.dma_semaphore, #tpu.memory_space<semaphore_mem>>) attributes {dimension_semantics = [#tpu.dimension_semantics<arbitrary>], iteration_bounds = array<i64: 32>, scalar_prefetch = 0 : i64, scratch_operands = 2 : i64, tpu.core_type = #tpu.core_type<tc>, window_params = [{pipeline_mode = #tpu.pipeline_mode<synchronous>, transform_indices = @transform_0, window_bounds = array<i64: 256, 256>}, {}, {transform_indices = @transform_2, window_bounds = array<i64: 1, 256, 128>}, {pipeline_mode = #tpu.pipeline_mode<synchronous>, transform_indices = @transform_3, window_bounds = array<i64: 128, 128>}, {pipeline_mode = #tpu.pipeline_mode<synchronous>, transform_indices = @transform_4, window_bounds = array<i64: 1, 128>}, {transform_indices = @transform_5, window_bounds = array<i64: 1, 256, 128>}]} {
    %eq3A = arith.constant 0 : i32
    %eq3A_0 = arith.cmpi eq, %arg0, %eq3A : i32
    %convert_element_type3A = arith.extui %eq3A_0 : i1 to i32
    %cond3A = arith.constant 0 : i32
    %cond3A_1 = arith.cmpi ne, %convert_element_type3A, %cond3A : i32
    scf.if %cond3A_1 {
      %rem3A_522 = arith.constant 0 : i32
      %rem3A_523 = arith.constant 4 : i32
      %rem3A_524 = arith.remsi %rem3A_522, %rem3A_523 : i32
      %dma_start3A = arith.constant 0 : i32
      %dma_start3A_525 = tpu.memref_slice %arg8[%rem3A_524] : memref<4x!tpu.dma_semaphore, #tpu.memory_space<semaphore_mem>> -> memref<1x!tpu.dma_semaphore, #tpu.memory_space<semaphore_mem>>
      %dma_start3A_526 = tpu.memref_squeeze %dma_start3A_525 : memref<1x!tpu.dma_semaphore, #tpu.memory_space<semaphore_mem>> -> memref<!tpu.dma_semaphore, #tpu.memory_space<semaphore_mem>>
      %dma_start3A_527 = arith.constant 0 : i32
      %dma_start3A_528 = arith.constant 0 : i32
      %dma_start3A_529 = arith.constant 0 : i32
      %dma_start3A_530 = tpu.memref_slice %arg7[%rem3A_524, %dma_start3A_527, %dma_start3A_528, %dma_start3A_529] : memref<4x24x256x128xf32, #tpu.memory_space<vmem>> -> memref<1x24x256x128xf32, #tpu.memory_space<vmem>>
      %dma_start3A_531 = tpu.memref_squeeze %dma_start3A_530 : memref<1x24x256x128xf32, #tpu.memory_space<vmem>> -> memref<24x256x128xf32, #tpu.memory_space<vmem>>
      %dma_start3A_532 = arith.constant 0 : i32
      %dma_start3A_533 = arith.constant 0 : i32
      %dma_start3A_534 = arith.constant 0 : i32
      %dma_start3A_535 = tpu.memref_slice %arg2[%dma_start3A, %dma_start3A_532, %dma_start3A_533, %dma_start3A_534] : memref<32x24x256x128xf32, #tpu.memory_space<hbm>> -> memref<1x24x256x128xf32, #tpu.memory_space<hbm>>
      %dma_start3A_536 = tpu.memref_squeeze %dma_start3A_535 : memref<1x24x256x128xf32, #tpu.memory_space<hbm>> -> memref<24x256x128xf32, #tpu.memory_space<hbm>>
      tpu.enqueue_dma source(%dma_start3A_536 : memref<24x256x128xf32, #tpu.memory_space<hbm>>) target(%dma_start3A_531 : memref<24x256x128xf32, #tpu.memory_space<vmem>>) target_semaphore(%dma_start3A_526 : memref<!tpu.dma_semaphore, #tpu.memory_space<semaphore_mem>>)
      %rem3A_537 = arith.constant 1 : i32
      %rem3A_538 = arith.constant 4 : i32
      %rem3A_539 = arith.remsi %rem3A_537, %rem3A_538 : i32
      %dma_start3A_540 = arith.constant 1 : i32
      %dma_start3A_541 = tpu.memref_slice %arg8[%rem3A_539] : memref<4x!tpu.dma_semaphore, #tpu.memory_space<semaphore_mem>> -> memref<1x!tpu.dma_semaphore, #tpu.memory_space<semaphore_mem>>
      %dma_start3A_542 = tpu.memref_squeeze %dma_start3A_541 : memref<1x!tpu.dma_semaphore, #tpu.memory_space<semaphore_mem>> -> memref<!tpu.dma_semaphore, #tpu.memory_space<semaphore_mem>>
      %dma_start3A_543 = arith.constant 0 : i32
      %dma_start3A_544 = arith.constant 0 : i32
      %dma_start3A_545 = arith.constant 0 : i32
      %dma_start3A_546 = tpu.memref_slice %arg7[%rem3A_539, %dma_start3A_543, %dma_start3A_544, %dma_start3A_545] : memref<4x24x256x128xf32, #tpu.memory_space<vmem>> -> memref<1x24x256x128xf32, #tpu.memory_space<vmem>>
      %dma_start3A_547 = tpu.memref_squeeze %dma_start3A_546 : memref<1x24x256x128xf32, #tpu.memory_space<vmem>> -> memref<24x256x128xf32, #tpu.memory_space<vmem>>
      %dma_start3A_548 = arith.constant 0 : i32
      %dma_start3A_549 = arith.constant 0 : i32
      %dma_start3A_550 = arith.constant 0 : i32
      %dma_start3A_551 = tpu.memref_slice %arg2[%dma_start3A_540, %dma_start3A_548, %dma_start3A_549, %dma_start3A_550] : memref<32x24x256x128xf32, #tpu.memory_space<hbm>> -> memref<1x24x256x128xf32, #tpu.memory_space<hbm>>
      %dma_start3A_552 = tpu.memref_squeeze %dma_start3A_551 : memref<1x24x256x128xf32, #tpu.memory_space<hbm>> -> memref<24x256x128xf32, #tpu.memory_space<hbm>>
      tpu.enqueue_dma source(%dma_start3A_552 : memref<24x256x128xf32, #tpu.memory_space<hbm>>) target(%dma_start3A_547 : memref<24x256x128xf32, #tpu.memory_space<vmem>>) target_semaphore(%dma_start3A_542 : memref<!tpu.dma_semaphore, #tpu.memory_space<semaphore_mem>>)
      %rem3A_553 = arith.constant 2 : i32
      %rem3A_554 = arith.constant 4 : i32
      %rem3A_555 = arith.remsi %rem3A_553, %rem3A_554 : i32
      %dma_start3A_556 = arith.constant 2 : i32
      %dma_start3A_557 = tpu.memref_slice %arg8[%rem3A_555] : memref<4x!tpu.dma_semaphore, #tpu.memory_space<semaphore_mem>> -> memref<1x!tpu.dma_semaphore, #tpu.memory_space<semaphore_mem>>
      %dma_start3A_558 = tpu.memref_squeeze %dma_start3A_557 : memref<1x!tpu.dma_semaphore, #tpu.memory_space<semaphore_mem>> -> memref<!tpu.dma_semaphore, #tpu.memory_space<semaphore_mem>>
      %dma_start3A_559 = arith.constant 0 : i32
      %dma_start3A_560 = arith.constant 0 : i32
      %dma_start3A_561 = arith.constant 0 : i32
      %dma_start3A_562 = tpu.memref_slice %arg7[%rem3A_555, %dma_start3A_559, %dma_start3A_560, %dma_start3A_561] : memref<4x24x256x128xf32, #tpu.memory_space<vmem>> -> memref<1x24x256x128xf32, #tpu.memory_space<vmem>>
      %dma_start3A_563 = tpu.memref_squeeze %dma_start3A_562 : memref<1x24x256x128xf32, #tpu.memory_space<vmem>> -> memref<24x256x128xf32, #tpu.memory_space<vmem>>
      %dma_start3A_564 = arith.constant 0 : i32
      %dma_start3A_565 = arith.constant 0 : i32
      %dma_start3A_566 = arith.constant 0 : i32
      %dma_start3A_567 = tpu.memref_slice %arg2[%dma_start3A_556, %dma_start3A_564, %dma_start3A_565, %dma_start3A_566] : memref<32x24x256x128xf32, #tpu.memory_space<hbm>> -> memref<1x24x256x128xf32, #tpu.memory_space<hbm>>
      %dma_start3A_568 = tpu.memref_squeeze %dma_start3A_567 : memref<1x24x256x128xf32, #tpu.memory_space<hbm>> -> memref<24x256x128xf32, #tpu.memory_space<hbm>>
      tpu.enqueue_dma source(%dma_start3A_568 : memref<24x256x128xf32, #tpu.memory_space<hbm>>) target(%dma_start3A_563 : memref<24x256x128xf32, #tpu.memory_space<vmem>>) target_semaphore(%dma_start3A_558 : memref<!tpu.dma_semaphore, #tpu.memory_space<semaphore_mem>>)
    } else {
    }
    %add3A = arith.constant 4 : i32
    %add3A_2 = arith.addi %arg0, %add3A : i32
    %sub3A = arith.constant 1 : i32
    %sub3A_3 = arith.subi %add3A_2, %sub3A : i32
    %lt3A = arith.constant 32 : i32
    %lt3A_4 = arith.cmpi slt, %sub3A_3, %lt3A : i32
    %convert_element_type3A_5 = arith.extui %lt3A_4 : i1 to i32
    %cond3A_6 = arith.constant 0 : i32
    %cond3A_7 = arith.cmpi ne, %convert_element_type3A_5, %cond3A_6 : i32
    scf.if %cond3A_7 {
      %add3A_522 = arith.constant 4 : i32
      %add3A_523 = arith.addi %arg0, %add3A_522 : i32
      %sub3A_524 = arith.constant 1 : i32
      %sub3A_525 = arith.subi %add3A_523, %sub3A_524 : i32
      %rem3A_526 = arith.constant 4 : i32
      %rem3A_527 = arith.remsi %sub3A_525, %rem3A_526 : i32
      %dma_start3A = tpu.memref_slice %arg8[%rem3A_527] : memref<4x!tpu.dma_semaphore, #tpu.memory_space<semaphore_mem>> -> memref<1x!tpu.dma_semaphore, #tpu.memory_space<semaphore_mem>>
      %dma_start3A_528 = tpu.memref_squeeze %dma_start3A : memref<1x!tpu.dma_semaphore, #tpu.memory_space<semaphore_mem>> -> memref<!tpu.dma_semaphore, #tpu.memory_space<semaphore_mem>>
      %dma_start3A_529 = arith.constant 0 : i32
      %dma_start3A_530 = arith.constant 0 : i32
      %dma_start3A_531 = arith.constant 0 : i32
      %dma_start3A_532 = tpu.memref_slice %arg7[%rem3A_527, %dma_start3A_529, %dma_start3A_530, %dma_start3A_531] : memref<4x24x256x128xf32, #tpu.memory_space<vmem>> -> memref<1x24x256x128xf32, #tpu.memory_space<vmem>>
      %dma_start3A_533 = tpu.memref_squeeze %dma_start3A_532 : memref<1x24x256x128xf32, #tpu.memory_space<vmem>> -> memref<24x256x128xf32, #tpu.memory_space<vmem>>
      %dma_start3A_534 = arith.constant 0 : i32
      %dma_start3A_535 = arith.constant 0 : i32
      %dma_start3A_536 = arith.constant 0 : i32
      %dma_start3A_537 = tpu.memref_slice %arg2[%sub3A_525, %dma_start3A_534, %dma_start3A_535, %dma_start3A_536] : memref<32x24x256x128xf32, #tpu.memory_space<hbm>> -> memref<1x24x256x128xf32, #tpu.memory_space<hbm>>
      %dma_start3A_538 = tpu.memref_squeeze %dma_start3A_537 : memref<1x24x256x128xf32, #tpu.memory_space<hbm>> -> memref<24x256x128xf32, #tpu.memory_space<hbm>>
      tpu.enqueue_dma source(%dma_start3A_538 : memref<24x256x128xf32, #tpu.memory_space<hbm>>) target(%dma_start3A_533 : memref<24x256x128xf32, #tpu.memory_space<vmem>>) target_semaphore(%dma_start3A_528 : memref<!tpu.dma_semaphore, #tpu.memory_space<semaphore_mem>>)
    } else {
    }
    %rem3A = arith.constant 4 : i32
    %rem3A_8 = arith.remsi %arg0, %rem3A : i32
    %dma_wait3A = tpu.memref_slice %arg8[%rem3A_8] : memref<4x!tpu.dma_semaphore, #tpu.memory_space<semaphore_mem>> -> memref<1x!tpu.dma_semaphore, #tpu.memory_space<semaphore_mem>>
    %dma_wait3A_9 = tpu.memref_squeeze %dma_wait3A : memref<1x!tpu.dma_semaphore, #tpu.memory_space<semaphore_mem>> -> memref<!tpu.dma_semaphore, #tpu.memory_space<semaphore_mem>>
    %dma_wait3A_10 = arith.constant 0 : i32
    %dma_wait3A_11 = arith.constant 0 : i32
    %dma_wait3A_12 = arith.constant 0 : i32
    %dma_wait3A_13 = tpu.memref_slice %arg7[%rem3A_8, %dma_wait3A_10, %dma_wait3A_11, %dma_wait3A_12] : memref<4x24x256x128xf32, #tpu.memory_space<vmem>> -> memref<1x24x256x128xf32, #tpu.memory_space<vmem>>
    %dma_wait3A_14 = tpu.memref_squeeze %dma_wait3A_13 : memref<1x24x256x128xf32, #tpu.memory_space<vmem>> -> memref<24x256x128xf32, #tpu.memory_space<vmem>>
    %dma_wait3A_15 = arith.constant 0 : i32
    %dma_wait3A_16 = arith.constant 0 : i32
    %dma_wait3A_17 = arith.constant 0 : i32
    %dma_wait3A_18 = tpu.memref_slice %arg2[%arg0, %dma_wait3A_15, %dma_wait3A_16, %dma_wait3A_17] : memref<32x24x256x128xf32, #tpu.memory_space<hbm>> -> memref<1x24x256x128xf32, #tpu.memory_space<hbm>>
    %dma_wait3A_19 = tpu.memref_squeeze %dma_wait3A_18 : memref<1x24x256x128xf32, #tpu.memory_space<hbm>> -> memref<24x256x128xf32, #tpu.memory_space<hbm>>
    tpu.wait_dma2 semaphore(%dma_wait3A_9 : memref<!tpu.dma_semaphore, #tpu.memory_space<semaphore_mem>>) src(%dma_wait3A_19 : memref<24x256x128xf32, #tpu.memory_space<hbm>>) dst(%dma_wait3A_14 : memref<24x256x128xf32, #tpu.memory_space<vmem>>)
    %get3A = arith.constant 0 : index
    %get3A_20 = arith.constant 0 : index
    %get3A_21 = vector.load %arg1[%get3A, %get3A_20] : memref<256x256xf32, #tpu.memory_space<vmem>>, vector<256x256xf32>
    %broadcast_in_dim3A = arith.constant 1.000000e+00 : f32
    %broadcast_in_dim3A_22 = vector.broadcast %broadcast_in_dim3A : f32 to vector<256x1xf32>
    %broadcast_in_dim3A_23 = arith.constant 1.000000e+00 : f32
    %broadcast_in_dim3A_24 = vector.broadcast %broadcast_in_dim3A_23 : f32 to vector<1x256xf32>
    %dot_general3A = arith.constant dense<0.000000e+00> : vector<256x1xf32>
    %dot_general3A_25 = tpu.matmul %get3A_21, %broadcast_in_dim3A_22, %dot_general3A {dimension_numbers = #tpu.dot_dimension_numbers<[1], [0], [0], [1], [0, 0, 1, 1], [], []>, transpose_lhs_hint = false} : vector<256x256xf32>, vector<256x1xf32>, vector<256x1xf32> -> vector<256x1xf32>
    %dot_general3A_26 = arith.constant dense<0.000000e+00> : vector<1x256xf32>
    %dot_general3A_27 = tpu.matmul %broadcast_in_dim3A_24, %get3A_21, %dot_general3A_26 {dimension_numbers = #tpu.dot_dimension_numbers<[1], [1], [0], [0], [0, 0, 1, 0], [], []>, transpose_lhs_hint = false} : vector<1x256xf32>, vector<256x256xf32>, vector<1x256xf32> -> vector<1x256xf32>
    %rsqrt3A = math.rsqrt %dot_general3A_25 : vector<256x1xf32>
    %mul3A = arith.constant 5.000000e-01 : f32
    %mul3A_28 = vector.broadcast %mul3A : f32 to vector<256x1xf32>
    %mul3A_29 = arith.mulf %mul3A_28, %rsqrt3A : vector<256x1xf32>
    %rsqrt3A_30 = math.rsqrt %dot_general3A_27 : vector<1x256xf32>
    %mul3A_31 = vector.broadcast %mul3A_29 : vector<256x1xf32> to vector<256x256xf32>
    %mul3A_32 = arith.mulf %get3A_21, %mul3A_31 : vector<256x256xf32>
    %mul3A_33 = vector.broadcast %rsqrt3A_30 : vector<1x256xf32> to vector<256x256xf32>
    %mul3A_34 = arith.mulf %mul3A_32, %mul3A_33 : vector<256x256xf32>
    %get3A_35 = arith.index_cast %rem3A_8 : i32 to index
    %get3A_36 = arith.constant 0 : index
    %get3A_37 = arith.constant 0 : index
    %get3A_38 = arith.constant 0 : index
    %get3A_39 = vector.load %arg7[%get3A_35, %get3A_36, %get3A_37, %get3A_38] : memref<4x24x256x128xf32, #tpu.memory_space<vmem>>, vector<1x24x256x128xf32>
    %get3A_40 = vector.shape_cast %get3A_39 : vector<1x24x256x128xf32> to vector<24x256x128xf32>
    %get3A_41 = arith.constant 0 : index
    %get3A_42 = arith.constant 0 : index
    %get3A_43 = arith.constant 0 : index
    %get3A_44 = vector.load %arg3[%get3A_41, %get3A_42, %get3A_43] : memref<1x256x128xf32, #tpu.memory_space<vmem>>, vector<1x256x128xf32>
    %get3A_45 = vector.shape_cast %get3A_44 : vector<1x256x128xf32> to vector<256x128xf32>
    %get3A_46 = arith.constant 0 : index
    %get3A_47 = arith.constant 0 : index
    %get3A_48 = vector.load %arg5[%get3A_46, %get3A_47] : memref<1x128xf32, #tpu.memory_space<vmem>>, vector<1x128xf32>
    %mul3A_49 = arith.constant 5.000000e-01 : f32
    %mul3A_50 = vector.broadcast %mul3A_49 : f32 to vector<1x128xf32>
    %mul3A_51 = arith.mulf %mul3A_50, %get3A_48 : vector<1x128xf32>
    %reshape3A = vector.shape_cast %get3A_40 : vector<24x256x128xf32> to vector<6144x128xf32>
    %get3A_52 = arith.constant 0 : index
    %get3A_53 = arith.constant 0 : index
    %get3A_54 = vector.load %arg4[%get3A_52, %get3A_53] : memref<128x128xf32, #tpu.memory_space<vmem>>, vector<128x128xf32>
    %dot_general3A_55 = arith.constant dense<0.000000e+00> : vector<6144x128xf32>
    %dot_general3A_56 = tpu.matmul %reshape3A, %get3A_54, %dot_general3A_55 {dimension_numbers = #tpu.dot_dimension_numbers<[1], [0], [0], [1], [0, 0, 1, 1], [], []>, transpose_lhs_hint = false} : vector<6144x128xf32>, vector<128x128xf32>, vector<6144x128xf32> -> vector<6144x128xf32>
    %reshape3A_57 = vector.shape_cast %dot_general3A_56 : vector<6144x128xf32> to vector<24x256x128xf32>
    %slice3A = vector.extract_strided_slice %reshape3A_57 {offsets = [0, 0, 0], sizes = [1, 256, 128], strides = [1, 1, 1]} : vector<24x256x128xf32> to vector<1x256x128xf32>
    %squeeze3A = vector.shape_cast %slice3A : vector<1x256x128xf32> to vector<256x128xf32>
    %dot_general3A_58 = arith.constant dense<0.000000e+00> : vector<256x128xf32>
    %dot_general3A_59 = tpu.matmul %mul3A_34, %squeeze3A, %dot_general3A_58 {dimension_numbers = #tpu.dot_dimension_numbers<[1], [0], [0], [1], [0, 0, 1, 1], [], []>, transpose_lhs_hint = false} : vector<256x256xf32>, vector<256x128xf32>, vector<256x128xf32> -> vector<256x128xf32>
    %add3A_60 = vector.broadcast %mul3A_51 : vector<1x128xf32> to vector<256x128xf32>
    %add3A_61 = arith.addf %dot_general3A_59, %add3A_60 : vector<256x128xf32>
    %tanh3A = math.tanh %add3A_61 : vector<256x128xf32>
    %mul3A_62 = arith.mulf %get3A_45, %tanh3A : vector<256x128xf32>
    %reduce_sum3A = arith.constant dense<0.000000e+00> : vector<256xf32>
    %reduce_sum3A_63 = vector.multi_reduction <add>, %mul3A_62, %reduce_sum3A [1] : vector<256x128xf32> to vector<256xf32>
    %broadcast_in_dim3A_64 = vector.shape_cast %reduce_sum3A_63 : vector<256xf32> to vector<256x1xf32>
    %mul3A_65 = arith.constant 5.000000e-01 : f32
    %mul3A_66 = vector.broadcast %mul3A_65 : f32 to vector<256x1xf32>
    %mul3A_67 = arith.mulf %mul3A_66, %broadcast_in_dim3A_64 : vector<256x1xf32>
    %exp3A = math.exp %mul3A_67 : vector<256x1xf32>
    %mul3A_68 = vector.broadcast %exp3A : vector<256x1xf32> to vector<256x128xf32>
    %mul3A_69 = arith.mulf %mul3A_68, %tanh3A : vector<256x128xf32>
    %slice3A_70 = vector.extract_strided_slice %reshape3A_57 {offsets = [1, 0, 0], sizes = [1, 256, 128], strides = [1, 1, 1]} : vector<24x256x128xf32> to vector<1x256x128xf32>
    %squeeze3A_71 = vector.shape_cast %slice3A_70 : vector<1x256x128xf32> to vector<256x128xf32>
    %dot_general3A_72 = arith.constant dense<0.000000e+00> : vector<256x128xf32>
    %dot_general3A_73 = tpu.matmul %mul3A_34, %squeeze3A_71, %dot_general3A_72 {dimension_numbers = #tpu.dot_dimension_numbers<[1], [0], [0], [1], [0, 0, 1, 1], [], []>, transpose_lhs_hint = false} : vector<256x256xf32>, vector<256x128xf32>, vector<256x128xf32> -> vector<256x128xf32>
    %add3A_74 = vector.broadcast %mul3A_51 : vector<1x128xf32> to vector<256x128xf32>
    %add3A_75 = arith.addf %dot_general3A_73, %add3A_74 : vector<256x128xf32>
    %tanh3A_76 = math.tanh %add3A_75 : vector<256x128xf32>
    %mul3A_77 = arith.mulf %get3A_45, %tanh3A_76 : vector<256x128xf32>
    %reduce_sum3A_78 = arith.constant dense<0.000000e+00> : vector<256xf32>
    %reduce_sum3A_79 = vector.multi_reduction <add>, %mul3A_77, %reduce_sum3A_78 [1] : vector<256x128xf32> to vector<256xf32>
    %broadcast_in_dim3A_80 = vector.shape_cast %reduce_sum3A_79 : vector<256xf32> to vector<256x1xf32>
    %mul3A_81 = arith.constant 5.000000e-01 : f32
    %mul3A_82 = vector.broadcast %mul3A_81 : f32 to vector<256x1xf32>
    %mul3A_83 = arith.mulf %mul3A_82, %broadcast_in_dim3A_80 : vector<256x1xf32>
    %exp3A_84 = math.exp %mul3A_83 : vector<256x1xf32>
    %add3A_85 = arith.addf %exp3A, %exp3A_84 : vector<256x1xf32>
    %mul3A_86 = vector.broadcast %exp3A_84 : vector<256x1xf32> to vector<256x128xf32>
    %mul3A_87 = arith.mulf %mul3A_86, %tanh3A_76 : vector<256x128xf32>
    %add3A_88 = arith.addf %mul3A_69, %mul3A_87 : vector<256x128xf32>
    %slice3A_89 = vector.extract_strided_slice %reshape3A_57 {offsets = [2, 0, 0], sizes = [1, 256, 128], strides = [1, 1, 1]} : vector<24x256x128xf32> to vector<1x256x128xf32>
    %squeeze3A_90 = vector.shape_cast %slice3A_89 : vector<1x256x128xf32> to vector<256x128xf32>
    %dot_general3A_91 = arith.constant dense<0.000000e+00> : vector<256x128xf32>
    %dot_general3A_92 = tpu.matmul %mul3A_34, %squeeze3A_90, %dot_general3A_91 {dimension_numbers = #tpu.dot_dimension_numbers<[1], [0], [0], [1], [0, 0, 1, 1], [], []>, transpose_lhs_hint = false} : vector<256x256xf32>, vector<256x128xf32>, vector<256x128xf32> -> vector<256x128xf32>
    %add3A_93 = vector.broadcast %mul3A_51 : vector<1x128xf32> to vector<256x128xf32>
    %add3A_94 = arith.addf %dot_general3A_92, %add3A_93 : vector<256x128xf32>
    %tanh3A_95 = math.tanh %add3A_94 : vector<256x128xf32>
    %mul3A_96 = arith.mulf %get3A_45, %tanh3A_95 : vector<256x128xf32>
    %reduce_sum3A_97 = arith.constant dense<0.000000e+00> : vector<256xf32>
    %reduce_sum3A_98 = vector.multi_reduction <add>, %mul3A_96, %reduce_sum3A_97 [1] : vector<256x128xf32> to vector<256xf32>
    %broadcast_in_dim3A_99 = vector.shape_cast %reduce_sum3A_98 : vector<256xf32> to vector<256x1xf32>
    %mul3A_100 = arith.constant 5.000000e-01 : f32
    %mul3A_101 = vector.broadcast %mul3A_100 : f32 to vector<256x1xf32>
    %mul3A_102 = arith.mulf %mul3A_101, %broadcast_in_dim3A_99 : vector<256x1xf32>
    %exp3A_103 = math.exp %mul3A_102 : vector<256x1xf32>
    %add3A_104 = arith.addf %add3A_85, %exp3A_103 : vector<256x1xf32>
    %mul3A_105 = vector.broadcast %exp3A_103 : vector<256x1xf32> to vector<256x128xf32>
    %mul3A_106 = arith.mulf %mul3A_105, %tanh3A_95 : vector<256x128xf32>
    %add3A_107 = arith.addf %add3A_88, %mul3A_106 : vector<256x128xf32>
    %slice3A_108 = vector.extract_strided_slice %reshape3A_57 {offsets = [3, 0, 0], sizes = [1, 256, 128], strides = [1, 1, 1]} : vector<24x256x128xf32> to vector<1x256x128xf32>
    %squeeze3A_109 = vector.shape_cast %slice3A_108 : vector<1x256x128xf32> to vector<256x128xf32>
    %dot_general3A_110 = arith.constant dense<0.000000e+00> : vector<256x128xf32>
    %dot_general3A_111 = tpu.matmul %mul3A_34, %squeeze3A_109, %dot_general3A_110 {dimension_numbers = #tpu.dot_dimension_numbers<[1], [0], [0], [1], [0, 0, 1, 1], [], []>, transpose_lhs_hint = false} : vector<256x256xf32>, vector<256x128xf32>, vector<256x128xf32> -> vector<256x128xf32>
    %add3A_112 = vector.broadcast %mul3A_51 : vector<1x128xf32> to vector<256x128xf32>
    %add3A_113 = arith.addf %dot_general3A_111, %add3A_112 : vector<256x128xf32>
    %tanh3A_114 = math.tanh %add3A_113 : vector<256x128xf32>
    %mul3A_115 = arith.mulf %get3A_45, %tanh3A_114 : vector<256x128xf32>
    %reduce_sum3A_116 = arith.constant dense<0.000000e+00> : vector<256xf32>
    %reduce_sum3A_117 = vector.multi_reduction <add>, %mul3A_115, %reduce_sum3A_116 [1] : vector<256x128xf32> to vector<256xf32>
    %broadcast_in_dim3A_118 = vector.shape_cast %reduce_sum3A_117 : vector<256xf32> to vector<256x1xf32>
    %mul3A_119 = arith.constant 5.000000e-01 : f32
    %mul3A_120 = vector.broadcast %mul3A_119 : f32 to vector<256x1xf32>
    %mul3A_121 = arith.mulf %mul3A_120, %broadcast_in_dim3A_118 : vector<256x1xf32>
    %exp3A_122 = math.exp %mul3A_121 : vector<256x1xf32>
    %add3A_123 = arith.addf %add3A_104, %exp3A_122 : vector<256x1xf32>
    %mul3A_124 = vector.broadcast %exp3A_122 : vector<256x1xf32> to vector<256x128xf32>
    %mul3A_125 = arith.mulf %mul3A_124, %tanh3A_114 : vector<256x128xf32>
    %add3A_126 = arith.addf %add3A_107, %mul3A_125 : vector<256x128xf32>
    %slice3A_127 = vector.extract_strided_slice %reshape3A_57 {offsets = [4, 0, 0], sizes = [1, 256, 128], strides = [1, 1, 1]} : vector<24x256x128xf32> to vector<1x256x128xf32>
    %squeeze3A_128 = vector.shape_cast %slice3A_127 : vector<1x256x128xf32> to vector<256x128xf32>
    %dot_general3A_129 = arith.constant dense<0.000000e+00> : vector<256x128xf32>
    %dot_general3A_130 = tpu.matmul %mul3A_34, %squeeze3A_128, %dot_general3A_129 {dimension_numbers = #tpu.dot_dimension_numbers<[1], [0], [0], [1], [0, 0, 1, 1], [], []>, transpose_lhs_hint = false} : vector<256x256xf32>, vector<256x128xf32>, vector<256x128xf32> -> vector<256x128xf32>
    %add3A_131 = vector.broadcast %mul3A_51 : vector<1x128xf32> to vector<256x128xf32>
    %add3A_132 = arith.addf %dot_general3A_130, %add3A_131 : vector<256x128xf32>
    %tanh3A_133 = math.tanh %add3A_132 : vector<256x128xf32>
    %mul3A_134 = arith.mulf %get3A_45, %tanh3A_133 : vector<256x128xf32>
    %reduce_sum3A_135 = arith.constant dense<0.000000e+00> : vector<256xf32>
    %reduce_sum3A_136 = vector.multi_reduction <add>, %mul3A_134, %reduce_sum3A_135 [1] : vector<256x128xf32> to vector<256xf32>
    %broadcast_in_dim3A_137 = vector.shape_cast %reduce_sum3A_136 : vector<256xf32> to vector<256x1xf32>
    %mul3A_138 = arith.constant 5.000000e-01 : f32
    %mul3A_139 = vector.broadcast %mul3A_138 : f32 to vector<256x1xf32>
    %mul3A_140 = arith.mulf %mul3A_139, %broadcast_in_dim3A_137 : vector<256x1xf32>
    %exp3A_141 = math.exp %mul3A_140 : vector<256x1xf32>
    %add3A_142 = arith.addf %add3A_123, %exp3A_141 : vector<256x1xf32>
    %mul3A_143 = vector.broadcast %exp3A_141 : vector<256x1xf32> to vector<256x128xf32>
    %mul3A_144 = arith.mulf %mul3A_143, %tanh3A_133 : vector<256x128xf32>
    %add3A_145 = arith.addf %add3A_126, %mul3A_144 : vector<256x128xf32>
    %slice3A_146 = vector.extract_strided_slice %reshape3A_57 {offsets = [5, 0, 0], sizes = [1, 256, 128], strides = [1, 1, 1]} : vector<24x256x128xf32> to vector<1x256x128xf32>
    %squeeze3A_147 = vector.shape_cast %slice3A_146 : vector<1x256x128xf32> to vector<256x128xf32>
    %dot_general3A_148 = arith.constant dense<0.000000e+00> : vector<256x128xf32>
    %dot_general3A_149 = tpu.matmul %mul3A_34, %squeeze3A_147, %dot_general3A_148 {dimension_numbers = #tpu.dot_dimension_numbers<[1], [0], [0], [1], [0, 0, 1, 1], [], []>, transpose_lhs_hint = false} : vector<256x256xf32>, vector<256x128xf32>, vector<256x128xf32> -> vector<256x128xf32>
    %add3A_150 = vector.broadcast %mul3A_51 : vector<1x128xf32> to vector<256x128xf32>
    %add3A_151 = arith.addf %dot_general3A_149, %add3A_150 : vector<256x128xf32>
    %tanh3A_152 = math.tanh %add3A_151 : vector<256x128xf32>
    %mul3A_153 = arith.mulf %get3A_45, %tanh3A_152 : vector<256x128xf32>
    %reduce_sum3A_154 = arith.constant dense<0.000000e+00> : vector<256xf32>
    %reduce_sum3A_155 = vector.multi_reduction <add>, %mul3A_153, %reduce_sum3A_154 [1] : vector<256x128xf32> to vector<256xf32>
    %broadcast_in_dim3A_156 = vector.shape_cast %reduce_sum3A_155 : vector<256xf32> to vector<256x1xf32>
    %mul3A_157 = arith.constant 5.000000e-01 : f32
    %mul3A_158 = vector.broadcast %mul3A_157 : f32 to vector<256x1xf32>
    %mul3A_159 = arith.mulf %mul3A_158, %broadcast_in_dim3A_156 : vector<256x1xf32>
    %exp3A_160 = math.exp %mul3A_159 : vector<256x1xf32>
    %add3A_161 = arith.addf %add3A_142, %exp3A_160 : vector<256x1xf32>
    %mul3A_162 = vector.broadcast %exp3A_160 : vector<256x1xf32> to vector<256x128xf32>
    %mul3A_163 = arith.mulf %mul3A_162, %tanh3A_152 : vector<256x128xf32>
    %add3A_164 = arith.addf %add3A_145, %mul3A_163 : vector<256x128xf32>
    %slice3A_165 = vector.extract_strided_slice %reshape3A_57 {offsets = [6, 0, 0], sizes = [1, 256, 128], strides = [1, 1, 1]} : vector<24x256x128xf32> to vector<1x256x128xf32>
    %squeeze3A_166 = vector.shape_cast %slice3A_165 : vector<1x256x128xf32> to vector<256x128xf32>
    %dot_general3A_167 = arith.constant dense<0.000000e+00> : vector<256x128xf32>
    %dot_general3A_168 = tpu.matmul %mul3A_34, %squeeze3A_166, %dot_general3A_167 {dimension_numbers = #tpu.dot_dimension_numbers<[1], [0], [0], [1], [0, 0, 1, 1], [], []>, transpose_lhs_hint = false} : vector<256x256xf32>, vector<256x128xf32>, vector<256x128xf32> -> vector<256x128xf32>
    %add3A_169 = vector.broadcast %mul3A_51 : vector<1x128xf32> to vector<256x128xf32>
    %add3A_170 = arith.addf %dot_general3A_168, %add3A_169 : vector<256x128xf32>
    %tanh3A_171 = math.tanh %add3A_170 : vector<256x128xf32>
    %mul3A_172 = arith.mulf %get3A_45, %tanh3A_171 : vector<256x128xf32>
    %reduce_sum3A_173 = arith.constant dense<0.000000e+00> : vector<256xf32>
    %reduce_sum3A_174 = vector.multi_reduction <add>, %mul3A_172, %reduce_sum3A_173 [1] : vector<256x128xf32> to vector<256xf32>
    %broadcast_in_dim3A_175 = vector.shape_cast %reduce_sum3A_174 : vector<256xf32> to vector<256x1xf32>
    %mul3A_176 = arith.constant 5.000000e-01 : f32
    %mul3A_177 = vector.broadcast %mul3A_176 : f32 to vector<256x1xf32>
    %mul3A_178 = arith.mulf %mul3A_177, %broadcast_in_dim3A_175 : vector<256x1xf32>
    %exp3A_179 = math.exp %mul3A_178 : vector<256x1xf32>
    %add3A_180 = arith.addf %add3A_161, %exp3A_179 : vector<256x1xf32>
    %mul3A_181 = vector.broadcast %exp3A_179 : vector<256x1xf32> to vector<256x128xf32>
    %mul3A_182 = arith.mulf %mul3A_181, %tanh3A_171 : vector<256x128xf32>
    %add3A_183 = arith.addf %add3A_164, %mul3A_182 : vector<256x128xf32>
    %slice3A_184 = vector.extract_strided_slice %reshape3A_57 {offsets = [7, 0, 0], sizes = [1, 256, 128], strides = [1, 1, 1]} : vector<24x256x128xf32> to vector<1x256x128xf32>
    %squeeze3A_185 = vector.shape_cast %slice3A_184 : vector<1x256x128xf32> to vector<256x128xf32>
    %dot_general3A_186 = arith.constant dense<0.000000e+00> : vector<256x128xf32>
    %dot_general3A_187 = tpu.matmul %mul3A_34, %squeeze3A_185, %dot_general3A_186 {dimension_numbers = #tpu.dot_dimension_numbers<[1], [0], [0], [1], [0, 0, 1, 1], [], []>, transpose_lhs_hint = false} : vector<256x256xf32>, vector<256x128xf32>, vector<256x128xf32> -> vector<256x128xf32>
    %add3A_188 = vector.broadcast %mul3A_51 : vector<1x128xf32> to vector<256x128xf32>
    %add3A_189 = arith.addf %dot_general3A_187, %add3A_188 : vector<256x128xf32>
    %tanh3A_190 = math.tanh %add3A_189 : vector<256x128xf32>
    %mul3A_191 = arith.mulf %get3A_45, %tanh3A_190 : vector<256x128xf32>
    %reduce_sum3A_192 = arith.constant dense<0.000000e+00> : vector<256xf32>
    %reduce_sum3A_193 = vector.multi_reduction <add>, %mul3A_191, %reduce_sum3A_192 [1] : vector<256x128xf32> to vector<256xf32>
    %broadcast_in_dim3A_194 = vector.shape_cast %reduce_sum3A_193 : vector<256xf32> to vector<256x1xf32>
    %mul3A_195 = arith.constant 5.000000e-01 : f32
    %mul3A_196 = vector.broadcast %mul3A_195 : f32 to vector<256x1xf32>
    %mul3A_197 = arith.mulf %mul3A_196, %broadcast_in_dim3A_194 : vector<256x1xf32>
    %exp3A_198 = math.exp %mul3A_197 : vector<256x1xf32>
    %add3A_199 = arith.addf %add3A_180, %exp3A_198 : vector<256x1xf32>
    %mul3A_200 = vector.broadcast %exp3A_198 : vector<256x1xf32> to vector<256x128xf32>
    %mul3A_201 = arith.mulf %mul3A_200, %tanh3A_190 : vector<256x128xf32>
    %add3A_202 = arith.addf %add3A_183, %mul3A_201 : vector<256x128xf32>
    %slice3A_203 = vector.extract_strided_slice %reshape3A_57 {offsets = [8, 0, 0], sizes = [1, 256, 128], strides = [1, 1, 1]} : vector<24x256x128xf32> to vector<1x256x128xf32>
    %squeeze3A_204 = vector.shape_cast %slice3A_203 : vector<1x256x128xf32> to vector<256x128xf32>
    %dot_general3A_205 = arith.constant dense<0.000000e+00> : vector<256x128xf32>
    %dot_general3A_206 = tpu.matmul %mul3A_34, %squeeze3A_204, %dot_general3A_205 {dimension_numbers = #tpu.dot_dimension_numbers<[1], [0], [0], [1], [0, 0, 1, 1], [], []>, transpose_lhs_hint = false} : vector<256x256xf32>, vector<256x128xf32>, vector<256x128xf32> -> vector<256x128xf32>
    %add3A_207 = vector.broadcast %mul3A_51 : vector<1x128xf32> to vector<256x128xf32>
    %add3A_208 = arith.addf %dot_general3A_206, %add3A_207 : vector<256x128xf32>
    %tanh3A_209 = math.tanh %add3A_208 : vector<256x128xf32>
    %mul3A_210 = arith.mulf %get3A_45, %tanh3A_209 : vector<256x128xf32>
    %reduce_sum3A_211 = arith.constant dense<0.000000e+00> : vector<256xf32>
    %reduce_sum3A_212 = vector.multi_reduction <add>, %mul3A_210, %reduce_sum3A_211 [1] : vector<256x128xf32> to vector<256xf32>
    %broadcast_in_dim3A_213 = vector.shape_cast %reduce_sum3A_212 : vector<256xf32> to vector<256x1xf32>
    %mul3A_214 = arith.constant 5.000000e-01 : f32
    %mul3A_215 = vector.broadcast %mul3A_214 : f32 to vector<256x1xf32>
    %mul3A_216 = arith.mulf %mul3A_215, %broadcast_in_dim3A_213 : vector<256x1xf32>
    %exp3A_217 = math.exp %mul3A_216 : vector<256x1xf32>
    %add3A_218 = arith.addf %add3A_199, %exp3A_217 : vector<256x1xf32>
    %mul3A_219 = vector.broadcast %exp3A_217 : vector<256x1xf32> to vector<256x128xf32>
    %mul3A_220 = arith.mulf %mul3A_219, %tanh3A_209 : vector<256x128xf32>
    %add3A_221 = arith.addf %add3A_202, %mul3A_220 : vector<256x128xf32>
    %slice3A_222 = vector.extract_strided_slice %reshape3A_57 {offsets = [9, 0, 0], sizes = [1, 256, 128], strides = [1, 1, 1]} : vector<24x256x128xf32> to vector<1x256x128xf32>
    %squeeze3A_223 = vector.shape_cast %slice3A_222 : vector<1x256x128xf32> to vector<256x128xf32>
    %dot_general3A_224 = arith.constant dense<0.000000e+00> : vector<256x128xf32>
    %dot_general3A_225 = tpu.matmul %mul3A_34, %squeeze3A_223, %dot_general3A_224 {dimension_numbers = #tpu.dot_dimension_numbers<[1], [0], [0], [1], [0, 0, 1, 1], [], []>, transpose_lhs_hint = false} : vector<256x256xf32>, vector<256x128xf32>, vector<256x128xf32> -> vector<256x128xf32>
    %add3A_226 = vector.broadcast %mul3A_51 : vector<1x128xf32> to vector<256x128xf32>
    %add3A_227 = arith.addf %dot_general3A_225, %add3A_226 : vector<256x128xf32>
    %tanh3A_228 = math.tanh %add3A_227 : vector<256x128xf32>
    %mul3A_229 = arith.mulf %get3A_45, %tanh3A_228 : vector<256x128xf32>
    %reduce_sum3A_230 = arith.constant dense<0.000000e+00> : vector<256xf32>
    %reduce_sum3A_231 = vector.multi_reduction <add>, %mul3A_229, %reduce_sum3A_230 [1] : vector<256x128xf32> to vector<256xf32>
    %broadcast_in_dim3A_232 = vector.shape_cast %reduce_sum3A_231 : vector<256xf32> to vector<256x1xf32>
    %mul3A_233 = arith.constant 5.000000e-01 : f32
    %mul3A_234 = vector.broadcast %mul3A_233 : f32 to vector<256x1xf32>
    %mul3A_235 = arith.mulf %mul3A_234, %broadcast_in_dim3A_232 : vector<256x1xf32>
    %exp3A_236 = math.exp %mul3A_235 : vector<256x1xf32>
    %add3A_237 = arith.addf %add3A_218, %exp3A_236 : vector<256x1xf32>
    %mul3A_238 = vector.broadcast %exp3A_236 : vector<256x1xf32> to vector<256x128xf32>
    %mul3A_239 = arith.mulf %mul3A_238, %tanh3A_228 : vector<256x128xf32>
    %add3A_240 = arith.addf %add3A_221, %mul3A_239 : vector<256x128xf32>
    %slice3A_241 = vector.extract_strided_slice %reshape3A_57 {offsets = [10, 0, 0], sizes = [1, 256, 128], strides = [1, 1, 1]} : vector<24x256x128xf32> to vector<1x256x128xf32>
    %squeeze3A_242 = vector.shape_cast %slice3A_241 : vector<1x256x128xf32> to vector<256x128xf32>
    %dot_general3A_243 = arith.constant dense<0.000000e+00> : vector<256x128xf32>
    %dot_general3A_244 = tpu.matmul %mul3A_34, %squeeze3A_242, %dot_general3A_243 {dimension_numbers = #tpu.dot_dimension_numbers<[1], [0], [0], [1], [0, 0, 1, 1], [], []>, transpose_lhs_hint = false} : vector<256x256xf32>, vector<256x128xf32>, vector<256x128xf32> -> vector<256x128xf32>
    %add3A_245 = vector.broadcast %mul3A_51 : vector<1x128xf32> to vector<256x128xf32>
    %add3A_246 = arith.addf %dot_general3A_244, %add3A_245 : vector<256x128xf32>
    %tanh3A_247 = math.tanh %add3A_246 : vector<256x128xf32>
    %mul3A_248 = arith.mulf %get3A_45, %tanh3A_247 : vector<256x128xf32>
    %reduce_sum3A_249 = arith.constant dense<0.000000e+00> : vector<256xf32>
    %reduce_sum3A_250 = vector.multi_reduction <add>, %mul3A_248, %reduce_sum3A_249 [1] : vector<256x128xf32> to vector<256xf32>
    %broadcast_in_dim3A_251 = vector.shape_cast %reduce_sum3A_250 : vector<256xf32> to vector<256x1xf32>
    %mul3A_252 = arith.constant 5.000000e-01 : f32
    %mul3A_253 = vector.broadcast %mul3A_252 : f32 to vector<256x1xf32>
    %mul3A_254 = arith.mulf %mul3A_253, %broadcast_in_dim3A_251 : vector<256x1xf32>
    %exp3A_255 = math.exp %mul3A_254 : vector<256x1xf32>
    %add3A_256 = arith.addf %add3A_237, %exp3A_255 : vector<256x1xf32>
    %mul3A_257 = vector.broadcast %exp3A_255 : vector<256x1xf32> to vector<256x128xf32>
    %mul3A_258 = arith.mulf %mul3A_257, %tanh3A_247 : vector<256x128xf32>
    %add3A_259 = arith.addf %add3A_240, %mul3A_258 : vector<256x128xf32>
    %slice3A_260 = vector.extract_strided_slice %reshape3A_57 {offsets = [11, 0, 0], sizes = [1, 256, 128], strides = [1, 1, 1]} : vector<24x256x128xf32> to vector<1x256x128xf32>
    %squeeze3A_261 = vector.shape_cast %slice3A_260 : vector<1x256x128xf32> to vector<256x128xf32>
    %dot_general3A_262 = arith.constant dense<0.000000e+00> : vector<256x128xf32>
    %dot_general3A_263 = tpu.matmul %mul3A_34, %squeeze3A_261, %dot_general3A_262 {dimension_numbers = #tpu.dot_dimension_numbers<[1], [0], [0], [1], [0, 0, 1, 1], [], []>, transpose_lhs_hint = false} : vector<256x256xf32>, vector<256x128xf32>, vector<256x128xf32> -> vector<256x128xf32>
    %add3A_264 = vector.broadcast %mul3A_51 : vector<1x128xf32> to vector<256x128xf32>
    %add3A_265 = arith.addf %dot_general3A_263, %add3A_264 : vector<256x128xf32>
    %tanh3A_266 = math.tanh %add3A_265 : vector<256x128xf32>
    %mul3A_267 = arith.mulf %get3A_45, %tanh3A_266 : vector<256x128xf32>
    %reduce_sum3A_268 = arith.constant dense<0.000000e+00> : vector<256xf32>
    %reduce_sum3A_269 = vector.multi_reduction <add>, %mul3A_267, %reduce_sum3A_268 [1] : vector<256x128xf32> to vector<256xf32>
    %broadcast_in_dim3A_270 = vector.shape_cast %reduce_sum3A_269 : vector<256xf32> to vector<256x1xf32>
    %mul3A_271 = arith.constant 5.000000e-01 : f32
    %mul3A_272 = vector.broadcast %mul3A_271 : f32 to vector<256x1xf32>
    %mul3A_273 = arith.mulf %mul3A_272, %broadcast_in_dim3A_270 : vector<256x1xf32>
    %exp3A_274 = math.exp %mul3A_273 : vector<256x1xf32>
    %add3A_275 = arith.addf %add3A_256, %exp3A_274 : vector<256x1xf32>
    %mul3A_276 = vector.broadcast %exp3A_274 : vector<256x1xf32> to vector<256x128xf32>
    %mul3A_277 = arith.mulf %mul3A_276, %tanh3A_266 : vector<256x128xf32>
    %add3A_278 = arith.addf %add3A_259, %mul3A_277 : vector<256x128xf32>
    %slice3A_279 = vector.extract_strided_slice %reshape3A_57 {offsets = [12, 0, 0], sizes = [1, 256, 128], strides = [1, 1, 1]} : vector<24x256x128xf32> to vector<1x256x128xf32>
    %squeeze3A_280 = vector.shape_cast %slice3A_279 : vector<1x256x128xf32> to vector<256x128xf32>
    %dot_general3A_281 = arith.constant dense<0.000000e+00> : vector<256x128xf32>
    %dot_general3A_282 = tpu.matmul %mul3A_34, %squeeze3A_280, %dot_general3A_281 {dimension_numbers = #tpu.dot_dimension_numbers<[1], [0], [0], [1], [0, 0, 1, 1], [], []>, transpose_lhs_hint = false} : vector<256x256xf32>, vector<256x128xf32>, vector<256x128xf32> -> vector<256x128xf32>
    %add3A_283 = vector.broadcast %mul3A_51 : vector<1x128xf32> to vector<256x128xf32>
    %add3A_284 = arith.addf %dot_general3A_282, %add3A_283 : vector<256x128xf32>
    %tanh3A_285 = math.tanh %add3A_284 : vector<256x128xf32>
    %mul3A_286 = arith.mulf %get3A_45, %tanh3A_285 : vector<256x128xf32>
    %reduce_sum3A_287 = arith.constant dense<0.000000e+00> : vector<256xf32>
    %reduce_sum3A_288 = vector.multi_reduction <add>, %mul3A_286, %reduce_sum3A_287 [1] : vector<256x128xf32> to vector<256xf32>
    %broadcast_in_dim3A_289 = vector.shape_cast %reduce_sum3A_288 : vector<256xf32> to vector<256x1xf32>
    %mul3A_290 = arith.constant 5.000000e-01 : f32
    %mul3A_291 = vector.broadcast %mul3A_290 : f32 to vector<256x1xf32>
    %mul3A_292 = arith.mulf %mul3A_291, %broadcast_in_dim3A_289 : vector<256x1xf32>
    %exp3A_293 = math.exp %mul3A_292 : vector<256x1xf32>
    %add3A_294 = arith.addf %add3A_275, %exp3A_293 : vector<256x1xf32>
    %mul3A_295 = vector.broadcast %exp3A_293 : vector<256x1xf32> to vector<256x128xf32>
    %mul3A_296 = arith.mulf %mul3A_295, %tanh3A_285 : vector<256x128xf32>
    %add3A_297 = arith.addf %add3A_278, %mul3A_296 : vector<256x128xf32>
    %slice3A_298 = vector.extract_strided_slice %reshape3A_57 {offsets = [13, 0, 0], sizes = [1, 256, 128], strides = [1, 1, 1]} : vector<24x256x128xf32> to vector<1x256x128xf32>
    %squeeze3A_299 = vector.shape_cast %slice3A_298 : vector<1x256x128xf32> to vector<256x128xf32>
    %dot_general3A_300 = arith.constant dense<0.000000e+00> : vector<256x128xf32>
    %dot_general3A_301 = tpu.matmul %mul3A_34, %squeeze3A_299, %dot_general3A_300 {dimension_numbers = #tpu.dot_dimension_numbers<[1], [0], [0], [1], [0, 0, 1, 1], [], []>, transpose_lhs_hint = false} : vector<256x256xf32>, vector<256x128xf32>, vector<256x128xf32> -> vector<256x128xf32>
    %add3A_302 = vector.broadcast %mul3A_51 : vector<1x128xf32> to vector<256x128xf32>
    %add3A_303 = arith.addf %dot_general3A_301, %add3A_302 : vector<256x128xf32>
    %tanh3A_304 = math.tanh %add3A_303 : vector<256x128xf32>
    %mul3A_305 = arith.mulf %get3A_45, %tanh3A_304 : vector<256x128xf32>
    %reduce_sum3A_306 = arith.constant dense<0.000000e+00> : vector<256xf32>
    %reduce_sum3A_307 = vector.multi_reduction <add>, %mul3A_305, %reduce_sum3A_306 [1] : vector<256x128xf32> to vector<256xf32>
    %broadcast_in_dim3A_308 = vector.shape_cast %reduce_sum3A_307 : vector<256xf32> to vector<256x1xf32>
    %mul3A_309 = arith.constant 5.000000e-01 : f32
    %mul3A_310 = vector.broadcast %mul3A_309 : f32 to vector<256x1xf32>
    %mul3A_311 = arith.mulf %mul3A_310, %broadcast_in_dim3A_308 : vector<256x1xf32>
    %exp3A_312 = math.exp %mul3A_311 : vector<256x1xf32>
    %add3A_313 = arith.addf %add3A_294, %exp3A_312 : vector<256x1xf32>
    %mul3A_314 = vector.broadcast %exp3A_312 : vector<256x1xf32> to vector<256x128xf32>
    %mul3A_315 = arith.mulf %mul3A_314, %tanh3A_304 : vector<256x128xf32>
    %add3A_316 = arith.addf %add3A_297, %mul3A_315 : vector<256x128xf32>
    %slice3A_317 = vector.extract_strided_slice %reshape3A_57 {offsets = [14, 0, 0], sizes = [1, 256, 128], strides = [1, 1, 1]} : vector<24x256x128xf32> to vector<1x256x128xf32>
    %squeeze3A_318 = vector.shape_cast %slice3A_317 : vector<1x256x128xf32> to vector<256x128xf32>
    %dot_general3A_319 = arith.constant dense<0.000000e+00> : vector<256x128xf32>
    %dot_general3A_320 = tpu.matmul %mul3A_34, %squeeze3A_318, %dot_general3A_319 {dimension_numbers = #tpu.dot_dimension_numbers<[1], [0], [0], [1], [0, 0, 1, 1], [], []>, transpose_lhs_hint = false} : vector<256x256xf32>, vector<256x128xf32>, vector<256x128xf32> -> vector<256x128xf32>
    %add3A_321 = vector.broadcast %mul3A_51 : vector<1x128xf32> to vector<256x128xf32>
    %add3A_322 = arith.addf %dot_general3A_320, %add3A_321 : vector<256x128xf32>
    %tanh3A_323 = math.tanh %add3A_322 : vector<256x128xf32>
    %mul3A_324 = arith.mulf %get3A_45, %tanh3A_323 : vector<256x128xf32>
    %reduce_sum3A_325 = arith.constant dense<0.000000e+00> : vector<256xf32>
    %reduce_sum3A_326 = vector.multi_reduction <add>, %mul3A_324, %reduce_sum3A_325 [1] : vector<256x128xf32> to vector<256xf32>
    %broadcast_in_dim3A_327 = vector.shape_cast %reduce_sum3A_326 : vector<256xf32> to vector<256x1xf32>
    %mul3A_328 = arith.constant 5.000000e-01 : f32
    %mul3A_329 = vector.broadcast %mul3A_328 : f32 to vector<256x1xf32>
    %mul3A_330 = arith.mulf %mul3A_329, %broadcast_in_dim3A_327 : vector<256x1xf32>
    %exp3A_331 = math.exp %mul3A_330 : vector<256x1xf32>
    %add3A_332 = arith.addf %add3A_313, %exp3A_331 : vector<256x1xf32>
    %mul3A_333 = vector.broadcast %exp3A_331 : vector<256x1xf32> to vector<256x128xf32>
    %mul3A_334 = arith.mulf %mul3A_333, %tanh3A_323 : vector<256x128xf32>
    %add3A_335 = arith.addf %add3A_316, %mul3A_334 : vector<256x128xf32>
    %slice3A_336 = vector.extract_strided_slice %reshape3A_57 {offsets = [15, 0, 0], sizes = [1, 256, 128], strides = [1, 1, 1]} : vector<24x256x128xf32> to vector<1x256x128xf32>
    %squeeze3A_337 = vector.shape_cast %slice3A_336 : vector<1x256x128xf32> to vector<256x128xf32>
    %dot_general3A_338 = arith.constant dense<0.000000e+00> : vector<256x128xf32>
    %dot_general3A_339 = tpu.matmul %mul3A_34, %squeeze3A_337, %dot_general3A_338 {dimension_numbers = #tpu.dot_dimension_numbers<[1], [0], [0], [1], [0, 0, 1, 1], [], []>, transpose_lhs_hint = false} : vector<256x256xf32>, vector<256x128xf32>, vector<256x128xf32> -> vector<256x128xf32>
    %add3A_340 = vector.broadcast %mul3A_51 : vector<1x128xf32> to vector<256x128xf32>
    %add3A_341 = arith.addf %dot_general3A_339, %add3A_340 : vector<256x128xf32>
    %tanh3A_342 = math.tanh %add3A_341 : vector<256x128xf32>
    %mul3A_343 = arith.mulf %get3A_45, %tanh3A_342 : vector<256x128xf32>
    %reduce_sum3A_344 = arith.constant dense<0.000000e+00> : vector<256xf32>
    %reduce_sum3A_345 = vector.multi_reduction <add>, %mul3A_343, %reduce_sum3A_344 [1] : vector<256x128xf32> to vector<256xf32>
    %broadcast_in_dim3A_346 = vector.shape_cast %reduce_sum3A_345 : vector<256xf32> to vector<256x1xf32>
    %mul3A_347 = arith.constant 5.000000e-01 : f32
    %mul3A_348 = vector.broadcast %mul3A_347 : f32 to vector<256x1xf32>
    %mul3A_349 = arith.mulf %mul3A_348, %broadcast_in_dim3A_346 : vector<256x1xf32>
    %exp3A_350 = math.exp %mul3A_349 : vector<256x1xf32>
    %add3A_351 = arith.addf %add3A_332, %exp3A_350 : vector<256x1xf32>
    %mul3A_352 = vector.broadcast %exp3A_350 : vector<256x1xf32> to vector<256x128xf32>
    %mul3A_353 = arith.mulf %mul3A_352, %tanh3A_342 : vector<256x128xf32>
    %add3A_354 = arith.addf %add3A_335, %mul3A_353 : vector<256x128xf32>
    %slice3A_355 = vector.extract_strided_slice %reshape3A_57 {offsets = [16, 0, 0], sizes = [1, 256, 128], strides = [1, 1, 1]} : vector<24x256x128xf32> to vector<1x256x128xf32>
    %squeeze3A_356 = vector.shape_cast %slice3A_355 : vector<1x256x128xf32> to vector<256x128xf32>
    %dot_general3A_357 = arith.constant dense<0.000000e+00> : vector<256x128xf32>
    %dot_general3A_358 = tpu.matmul %mul3A_34, %squeeze3A_356, %dot_general3A_357 {dimension_numbers = #tpu.dot_dimension_numbers<[1], [0], [0], [1], [0, 0, 1, 1], [], []>, transpose_lhs_hint = false} : vector<256x256xf32>, vector<256x128xf32>, vector<256x128xf32> -> vector<256x128xf32>
    %add3A_359 = vector.broadcast %mul3A_51 : vector<1x128xf32> to vector<256x128xf32>
    %add3A_360 = arith.addf %dot_general3A_358, %add3A_359 : vector<256x128xf32>
    %tanh3A_361 = math.tanh %add3A_360 : vector<256x128xf32>
    %mul3A_362 = arith.mulf %get3A_45, %tanh3A_361 : vector<256x128xf32>
    %reduce_sum3A_363 = arith.constant dense<0.000000e+00> : vector<256xf32>
    %reduce_sum3A_364 = vector.multi_reduction <add>, %mul3A_362, %reduce_sum3A_363 [1] : vector<256x128xf32> to vector<256xf32>
    %broadcast_in_dim3A_365 = vector.shape_cast %reduce_sum3A_364 : vector<256xf32> to vector<256x1xf32>
    %mul3A_366 = arith.constant 5.000000e-01 : f32
    %mul3A_367 = vector.broadcast %mul3A_366 : f32 to vector<256x1xf32>
    %mul3A_368 = arith.mulf %mul3A_367, %broadcast_in_dim3A_365 : vector<256x1xf32>
    %exp3A_369 = math.exp %mul3A_368 : vector<256x1xf32>
    %add3A_370 = arith.addf %add3A_351, %exp3A_369 : vector<256x1xf32>
    %mul3A_371 = vector.broadcast %exp3A_369 : vector<256x1xf32> to vector<256x128xf32>
    %mul3A_372 = arith.mulf %mul3A_371, %tanh3A_361 : vector<256x128xf32>
    %add3A_373 = arith.addf %add3A_354, %mul3A_372 : vector<256x128xf32>
    %slice3A_374 = vector.extract_strided_slice %reshape3A_57 {offsets = [17, 0, 0], sizes = [1, 256, 128], strides = [1, 1, 1]} : vector<24x256x128xf32> to vector<1x256x128xf32>
    %squeeze3A_375 = vector.shape_cast %slice3A_374 : vector<1x256x128xf32> to vector<256x128xf32>
    %dot_general3A_376 = arith.constant dense<0.000000e+00> : vector<256x128xf32>
    %dot_general3A_377 = tpu.matmul %mul3A_34, %squeeze3A_375, %dot_general3A_376 {dimension_numbers = #tpu.dot_dimension_numbers<[1], [0], [0], [1], [0, 0, 1, 1], [], []>, transpose_lhs_hint = false} : vector<256x256xf32>, vector<256x128xf32>, vector<256x128xf32> -> vector<256x128xf32>
    %add3A_378 = vector.broadcast %mul3A_51 : vector<1x128xf32> to vector<256x128xf32>
    %add3A_379 = arith.addf %dot_general3A_377, %add3A_378 : vector<256x128xf32>
    %tanh3A_380 = math.tanh %add3A_379 : vector<256x128xf32>
    %mul3A_381 = arith.mulf %get3A_45, %tanh3A_380 : vector<256x128xf32>
    %reduce_sum3A_382 = arith.constant dense<0.000000e+00> : vector<256xf32>
    %reduce_sum3A_383 = vector.multi_reduction <add>, %mul3A_381, %reduce_sum3A_382 [1] : vector<256x128xf32> to vector<256xf32>
    %broadcast_in_dim3A_384 = vector.shape_cast %reduce_sum3A_383 : vector<256xf32> to vector<256x1xf32>
    %mul3A_385 = arith.constant 5.000000e-01 : f32
    %mul3A_386 = vector.broadcast %mul3A_385 : f32 to vector<256x1xf32>
    %mul3A_387 = arith.mulf %mul3A_386, %broadcast_in_dim3A_384 : vector<256x1xf32>
    %exp3A_388 = math.exp %mul3A_387 : vector<256x1xf32>
    %add3A_389 = arith.addf %add3A_370, %exp3A_388 : vector<256x1xf32>
    %mul3A_390 = vector.broadcast %exp3A_388 : vector<256x1xf32> to vector<256x128xf32>
    %mul3A_391 = arith.mulf %mul3A_390, %tanh3A_380 : vector<256x128xf32>
    %add3A_392 = arith.addf %add3A_373, %mul3A_391 : vector<256x128xf32>
    %slice3A_393 = vector.extract_strided_slice %reshape3A_57 {offsets = [18, 0, 0], sizes = [1, 256, 128], strides = [1, 1, 1]} : vector<24x256x128xf32> to vector<1x256x128xf32>
    %squeeze3A_394 = vector.shape_cast %slice3A_393 : vector<1x256x128xf32> to vector<256x128xf32>
    %dot_general3A_395 = arith.constant dense<0.000000e+00> : vector<256x128xf32>
    %dot_general3A_396 = tpu.matmul %mul3A_34, %squeeze3A_394, %dot_general3A_395 {dimension_numbers = #tpu.dot_dimension_numbers<[1], [0], [0], [1], [0, 0, 1, 1], [], []>, transpose_lhs_hint = false} : vector<256x256xf32>, vector<256x128xf32>, vector<256x128xf32> -> vector<256x128xf32>
    %add3A_397 = vector.broadcast %mul3A_51 : vector<1x128xf32> to vector<256x128xf32>
    %add3A_398 = arith.addf %dot_general3A_396, %add3A_397 : vector<256x128xf32>
    %tanh3A_399 = math.tanh %add3A_398 : vector<256x128xf32>
    %mul3A_400 = arith.mulf %get3A_45, %tanh3A_399 : vector<256x128xf32>
    %reduce_sum3A_401 = arith.constant dense<0.000000e+00> : vector<256xf32>
    %reduce_sum3A_402 = vector.multi_reduction <add>, %mul3A_400, %reduce_sum3A_401 [1] : vector<256x128xf32> to vector<256xf32>
    %broadcast_in_dim3A_403 = vector.shape_cast %reduce_sum3A_402 : vector<256xf32> to vector<256x1xf32>
    %mul3A_404 = arith.constant 5.000000e-01 : f32
    %mul3A_405 = vector.broadcast %mul3A_404 : f32 to vector<256x1xf32>
    %mul3A_406 = arith.mulf %mul3A_405, %broadcast_in_dim3A_403 : vector<256x1xf32>
    %exp3A_407 = math.exp %mul3A_406 : vector<256x1xf32>
    %add3A_408 = arith.addf %add3A_389, %exp3A_407 : vector<256x1xf32>
    %mul3A_409 = vector.broadcast %exp3A_407 : vector<256x1xf32> to vector<256x128xf32>
    %mul3A_410 = arith.mulf %mul3A_409, %tanh3A_399 : vector<256x128xf32>
    %add3A_411 = arith.addf %add3A_392, %mul3A_410 : vector<256x128xf32>
    %slice3A_412 = vector.extract_strided_slice %reshape3A_57 {offsets = [19, 0, 0], sizes = [1, 256, 128], strides = [1, 1, 1]} : vector<24x256x128xf32> to vector<1x256x128xf32>
    %squeeze3A_413 = vector.shape_cast %slice3A_412 : vector<1x256x128xf32> to vector<256x128xf32>
    %dot_general3A_414 = arith.constant dense<0.000000e+00> : vector<256x128xf32>
    %dot_general3A_415 = tpu.matmul %mul3A_34, %squeeze3A_413, %dot_general3A_414 {dimension_numbers = #tpu.dot_dimension_numbers<[1], [0], [0], [1], [0, 0, 1, 1], [], []>, transpose_lhs_hint = false} : vector<256x256xf32>, vector<256x128xf32>, vector<256x128xf32> -> vector<256x128xf32>
    %add3A_416 = vector.broadcast %mul3A_51 : vector<1x128xf32> to vector<256x128xf32>
    %add3A_417 = arith.addf %dot_general3A_415, %add3A_416 : vector<256x128xf32>
    %tanh3A_418 = math.tanh %add3A_417 : vector<256x128xf32>
    %mul3A_419 = arith.mulf %get3A_45, %tanh3A_418 : vector<256x128xf32>
    %reduce_sum3A_420 = arith.constant dense<0.000000e+00> : vector<256xf32>
    %reduce_sum3A_421 = vector.multi_reduction <add>, %mul3A_419, %reduce_sum3A_420 [1] : vector<256x128xf32> to vector<256xf32>
    %broadcast_in_dim3A_422 = vector.shape_cast %reduce_sum3A_421 : vector<256xf32> to vector<256x1xf32>
    %mul3A_423 = arith.constant 5.000000e-01 : f32
    %mul3A_424 = vector.broadcast %mul3A_423 : f32 to vector<256x1xf32>
    %mul3A_425 = arith.mulf %mul3A_424, %broadcast_in_dim3A_422 : vector<256x1xf32>
    %exp3A_426 = math.exp %mul3A_425 : vector<256x1xf32>
    %add3A_427 = arith.addf %add3A_408, %exp3A_426 : vector<256x1xf32>
    %mul3A_428 = vector.broadcast %exp3A_426 : vector<256x1xf32> to vector<256x128xf32>
    %mul3A_429 = arith.mulf %mul3A_428, %tanh3A_418 : vector<256x128xf32>
    %add3A_430 = arith.addf %add3A_411, %mul3A_429 : vector<256x128xf32>
    %slice3A_431 = vector.extract_strided_slice %reshape3A_57 {offsets = [20, 0, 0], sizes = [1, 256, 128], strides = [1, 1, 1]} : vector<24x256x128xf32> to vector<1x256x128xf32>
    %squeeze3A_432 = vector.shape_cast %slice3A_431 : vector<1x256x128xf32> to vector<256x128xf32>
    %dot_general3A_433 = arith.constant dense<0.000000e+00> : vector<256x128xf32>
    %dot_general3A_434 = tpu.matmul %mul3A_34, %squeeze3A_432, %dot_general3A_433 {dimension_numbers = #tpu.dot_dimension_numbers<[1], [0], [0], [1], [0, 0, 1, 1], [], []>, transpose_lhs_hint = false} : vector<256x256xf32>, vector<256x128xf32>, vector<256x128xf32> -> vector<256x128xf32>
    %add3A_435 = vector.broadcast %mul3A_51 : vector<1x128xf32> to vector<256x128xf32>
    %add3A_436 = arith.addf %dot_general3A_434, %add3A_435 : vector<256x128xf32>
    %tanh3A_437 = math.tanh %add3A_436 : vector<256x128xf32>
    %mul3A_438 = arith.mulf %get3A_45, %tanh3A_437 : vector<256x128xf32>
    %reduce_sum3A_439 = arith.constant dense<0.000000e+00> : vector<256xf32>
    %reduce_sum3A_440 = vector.multi_reduction <add>, %mul3A_438, %reduce_sum3A_439 [1] : vector<256x128xf32> to vector<256xf32>
    %broadcast_in_dim3A_441 = vector.shape_cast %reduce_sum3A_440 : vector<256xf32> to vector<256x1xf32>
    %mul3A_442 = arith.constant 5.000000e-01 : f32
    %mul3A_443 = vector.broadcast %mul3A_442 : f32 to vector<256x1xf32>
    %mul3A_444 = arith.mulf %mul3A_443, %broadcast_in_dim3A_441 : vector<256x1xf32>
    %exp3A_445 = math.exp %mul3A_444 : vector<256x1xf32>
    %add3A_446 = arith.addf %add3A_427, %exp3A_445 : vector<256x1xf32>
    %mul3A_447 = vector.broadcast %exp3A_445 : vector<256x1xf32> to vector<256x128xf32>
    %mul3A_448 = arith.mulf %mul3A_447, %tanh3A_437 : vector<256x128xf32>
    %add3A_449 = arith.addf %add3A_430, %mul3A_448 : vector<256x128xf32>
    %slice3A_450 = vector.extract_strided_slice %reshape3A_57 {offsets = [21, 0, 0], sizes = [1, 256, 128], strides = [1, 1, 1]} : vector<24x256x128xf32> to vector<1x256x128xf32>
    %squeeze3A_451 = vector.shape_cast %slice3A_450 : vector<1x256x128xf32> to vector<256x128xf32>
    %dot_general3A_452 = arith.constant dense<0.000000e+00> : vector<256x128xf32>
    %dot_general3A_453 = tpu.matmul %mul3A_34, %squeeze3A_451, %dot_general3A_452 {dimension_numbers = #tpu.dot_dimension_numbers<[1], [0], [0], [1], [0, 0, 1, 1], [], []>, transpose_lhs_hint = false} : vector<256x256xf32>, vector<256x128xf32>, vector<256x128xf32> -> vector<256x128xf32>
    %add3A_454 = vector.broadcast %mul3A_51 : vector<1x128xf32> to vector<256x128xf32>
    %add3A_455 = arith.addf %dot_general3A_453, %add3A_454 : vector<256x128xf32>
    %tanh3A_456 = math.tanh %add3A_455 : vector<256x128xf32>
    %mul3A_457 = arith.mulf %get3A_45, %tanh3A_456 : vector<256x128xf32>
    %reduce_sum3A_458 = arith.constant dense<0.000000e+00> : vector<256xf32>
    %reduce_sum3A_459 = vector.multi_reduction <add>, %mul3A_457, %reduce_sum3A_458 [1] : vector<256x128xf32> to vector<256xf32>
    %broadcast_in_dim3A_460 = vector.shape_cast %reduce_sum3A_459 : vector<256xf32> to vector<256x1xf32>
    %mul3A_461 = arith.constant 5.000000e-01 : f32
    %mul3A_462 = vector.broadcast %mul3A_461 : f32 to vector<256x1xf32>
    %mul3A_463 = arith.mulf %mul3A_462, %broadcast_in_dim3A_460 : vector<256x1xf32>
    %exp3A_464 = math.exp %mul3A_463 : vector<256x1xf32>
    %add3A_465 = arith.addf %add3A_446, %exp3A_464 : vector<256x1xf32>
    %mul3A_466 = vector.broadcast %exp3A_464 : vector<256x1xf32> to vector<256x128xf32>
    %mul3A_467 = arith.mulf %mul3A_466, %tanh3A_456 : vector<256x128xf32>
    %add3A_468 = arith.addf %add3A_449, %mul3A_467 : vector<256x128xf32>
    %slice3A_469 = vector.extract_strided_slice %reshape3A_57 {offsets = [22, 0, 0], sizes = [1, 256, 128], strides = [1, 1, 1]} : vector<24x256x128xf32> to vector<1x256x128xf32>
    %squeeze3A_470 = vector.shape_cast %slice3A_469 : vector<1x256x128xf32> to vector<256x128xf32>
    %dot_general3A_471 = arith.constant dense<0.000000e+00> : vector<256x128xf32>
    %dot_general3A_472 = tpu.matmul %mul3A_34, %squeeze3A_470, %dot_general3A_471 {dimension_numbers = #tpu.dot_dimension_numbers<[1], [0], [0], [1], [0, 0, 1, 1], [], []>, transpose_lhs_hint = false} : vector<256x256xf32>, vector<256x128xf32>, vector<256x128xf32> -> vector<256x128xf32>
    %add3A_473 = vector.broadcast %mul3A_51 : vector<1x128xf32> to vector<256x128xf32>
    %add3A_474 = arith.addf %dot_general3A_472, %add3A_473 : vector<256x128xf32>
    %tanh3A_475 = math.tanh %add3A_474 : vector<256x128xf32>
    %mul3A_476 = arith.mulf %get3A_45, %tanh3A_475 : vector<256x128xf32>
    %reduce_sum3A_477 = arith.constant dense<0.000000e+00> : vector<256xf32>
    %reduce_sum3A_478 = vector.multi_reduction <add>, %mul3A_476, %reduce_sum3A_477 [1] : vector<256x128xf32> to vector<256xf32>
    %broadcast_in_dim3A_479 = vector.shape_cast %reduce_sum3A_478 : vector<256xf32> to vector<256x1xf32>
    %mul3A_480 = arith.constant 5.000000e-01 : f32
    %mul3A_481 = vector.broadcast %mul3A_480 : f32 to vector<256x1xf32>
    %mul3A_482 = arith.mulf %mul3A_481, %broadcast_in_dim3A_479 : vector<256x1xf32>
    %exp3A_483 = math.exp %mul3A_482 : vector<256x1xf32>
    %add3A_484 = arith.addf %add3A_465, %exp3A_483 : vector<256x1xf32>
    %mul3A_485 = vector.broadcast %exp3A_483 : vector<256x1xf32> to vector<256x128xf32>
    %mul3A_486 = arith.mulf %mul3A_485, %tanh3A_475 : vector<256x128xf32>
    %add3A_487 = arith.addf %add3A_468, %mul3A_486 : vector<256x128xf32>
    %slice3A_488 = vector.extract_strided_slice %reshape3A_57 {offsets = [23, 0, 0], sizes = [1, 256, 128], strides = [1, 1, 1]} : vector<24x256x128xf32> to vector<1x256x128xf32>
    %squeeze3A_489 = vector.shape_cast %slice3A_488 : vector<1x256x128xf32> to vector<256x128xf32>
    %dot_general3A_490 = arith.constant dense<0.000000e+00> : vector<256x128xf32>
    %dot_general3A_491 = tpu.matmul %mul3A_34, %squeeze3A_489, %dot_general3A_490 {dimension_numbers = #tpu.dot_dimension_numbers<[1], [0], [0], [1], [0, 0, 1, 1], [], []>, transpose_lhs_hint = false} : vector<256x256xf32>, vector<256x128xf32>, vector<256x128xf32> -> vector<256x128xf32>
    %add3A_492 = vector.broadcast %mul3A_51 : vector<1x128xf32> to vector<256x128xf32>
    %add3A_493 = arith.addf %dot_general3A_491, %add3A_492 : vector<256x128xf32>
    %tanh3A_494 = math.tanh %add3A_493 : vector<256x128xf32>
    %mul3A_495 = arith.mulf %get3A_45, %tanh3A_494 : vector<256x128xf32>
    %reduce_sum3A_496 = arith.constant dense<0.000000e+00> : vector<256xf32>
    %reduce_sum3A_497 = vector.multi_reduction <add>, %mul3A_495, %reduce_sum3A_496 [1] : vector<256x128xf32> to vector<256xf32>
    %broadcast_in_dim3A_498 = vector.shape_cast %reduce_sum3A_497 : vector<256xf32> to vector<256x1xf32>
    %mul3A_499 = arith.constant 5.000000e-01 : f32
    %mul3A_500 = vector.broadcast %mul3A_499 : f32 to vector<256x1xf32>
    %mul3A_501 = arith.mulf %mul3A_500, %broadcast_in_dim3A_498 : vector<256x1xf32>
    %exp3A_502 = math.exp %mul3A_501 : vector<256x1xf32>
    %add3A_503 = arith.addf %add3A_484, %exp3A_502 : vector<256x1xf32>
    %mul3A_504 = vector.broadcast %exp3A_502 : vector<256x1xf32> to vector<256x128xf32>
    %mul3A_505 = arith.mulf %mul3A_504, %tanh3A_494 : vector<256x128xf32>
    %add3A_506 = arith.addf %add3A_487, %mul3A_505 : vector<256x128xf32>
    %div3A = arith.constant 1.000000e+00 : f32
    %div3A_507 = vector.broadcast %div3A : f32 to vector<256x1xf32>
    %div3A_508 = arith.divf %div3A_507, %add3A_503 : vector<256x1xf32>
    %mul3A_509 = vector.broadcast %div3A_508 : vector<256x1xf32> to vector<256x128xf32>
    %mul3A_510 = arith.mulf %add3A_506, %mul3A_509 : vector<256x128xf32>
    %mul3A_511 = arith.constant 5.000000e-01 : f32
    %mul3A_512 = vector.broadcast %mul3A_511 : f32 to vector<256x128xf32>
    %mul3A_513 = arith.mulf %mul3A_512, %mul3A_510 : vector<256x128xf32>
    %add3A_514 = arith.constant 5.000000e-01 : f32
    %add3A_515 = vector.broadcast %add3A_514 : f32 to vector<256x128xf32>
    %add3A_516 = arith.addf %mul3A_513, %add3A_515 : vector<256x128xf32>
    %swap3A = arith.constant 0 : index
    %swap3A_517 = arith.constant 0 : index
    %swap3A_518 = arith.constant 0 : index
    %swap3A_519 = vector.load %arg6[%swap3A, %swap3A_517, %swap3A_518] : memref<1x256x128xf32, #tpu.memory_space<vmem>>, vector<1x256x128xf32>
    %swap3A_520 = vector.shape_cast %swap3A_519 : vector<1x256x128xf32> to vector<256x128xf32>
    %swap3A_521 = vector.shape_cast %add3A_516 : vector<256x128xf32> to vector<1x256x128xf32>
    tpu.vector_store %arg6[%swap3A, %swap3A_517, %swap3A_518], %swap3A_521 {strides = array<i32>} : memref<1x256x128xf32, #tpu.memory_space<vmem>>, vector<1x256x128xf32>,
    return
  }
  func.func @transform_0(%arg0: i32) -> (i32, i32) {
    %c0_i32 = arith.constant 0 : i32
    %c0_i32_0 = arith.constant 0 : i32
    %c0_i32_1 = arith.constant 0 : i32
    return %c0_i32, %c0_i32_0 : i32, i32
  }
  func.func @transform_2(%arg0: i32) -> (i32, i32, i32) {
    %c0_i32 = arith.constant 0 : i32
    %c0_i32_0 = arith.constant 0 : i32
    %c0_i32_1 = arith.constant 0 : i32
    return %arg0, %c0_i32, %c0_i32_0 : i32, i32, i32
  }
  func.func @transform_3(%arg0: i32) -> (i32, i32) {
    %c0_i32 = arith.constant 0 : i32
    %c0_i32_0 = arith.constant 0 : i32
    %c0_i32_1 = arith.constant 0 : i32
    return %c0_i32, %c0_i32_0 : i32, i32
  }
  func.func @transform_4(%arg0: i32) -> (i32, i32) {
    %c0_i32 = arith.constant 0 : i32
    %c0_i32_0 = arith.constant 0 : i32
    %c0_i32_1 = arith.constant 0 : i32
    return %c0_i32, %c0_i32_0 : i32, i32
  }
  func.func @transform_5(%arg0: i32) -> (i32, i32, i32) {
    %c0_i32 = arith.constant 0 : i32
    %c0_i32_0 = arith.constant 0 : i32
    %c0_i32_1 = arith.constant 0 : i32
    return %arg0, %c0_i32, %c0_i32_0 : i32, i32, i32
  }
}

</mosaic_0001>

<sc_bundles>
// kernel: kernel.4.cloned.1.call-start
scs
__scs_entry_jumppad:
0x0: {  	(pc) =	sbr.rel $0x88, $3  }
0x1: {  	(tag) =	ssettag $0x0;
	lr =	simm.s32 $0x1  }
0x2: {  	[smem:$0x3F9C] =	sst lr;
	_ =	strace $0xD0000000  }
0x3: {  	_ = 	snop  }
0x4: {  	_ = 	snop  }
0x5: {  	_ = 	snop  }
0x6: {  	_ = 	snop  }
0x7: {  	_ = 	snop  }
__scs_overlays_trampoline_lowered:
0x8: {  	[smem:$0x3FAB] =	sst s0  }
0x9: {  	[smem:$0x3FAC] =	sst s1  }
0xa: {  	[smem:$0x3FAD] =	sst s2  }
0xb: {  	[smem:$0x3FAE] =	sst s3  }
0xc: {  	[smem:$0x3FAF] =	sst s4  }
0xd: {  	[smem:$0x3FB0] =	sst s5  }
0xe: {  	[smem:$0x3FB1] =	sst s6  }
0xf: {  	[smem:$0x3FB2] =	sst s7  }
0x10: {  	[smem:$0x3FB3] =	sst s8  }
0x11: {  	[smem:$0x3FB4] =	sst s9;
	s0 =	simm.s32 @!p0 $0x0  }
0x12: {  	s1 =	sld [smem:$0x3F9A];
	s0 =	simm.s32 @p0 $0x1  }
0x13: {  	[smem:$0x3FB5] =	sst s0;
	s0 =	simm.s32 @!p1 $0x0  }
0x14: {  	s2 =	sld [smem:$0x3F99];
	s0 =	simm.s32 @p1 $0x1  }
0x15: {  	[smem:$0x3FB6] =	sst s0;
	s0 =	simm.s32 @!p2 $0x0  }
0x16: {  	s3 =	sld [smem:$0x3FDB];
	s0 =	simm.s32 @p2 $0x1  }
0x17: {  	s4 =	simm.s32 $0x1BF5;
	[smem:$0x3FB8] =	sst s0  }
0x18: {  	s0 =	sld [smem:$0x3F9B];
	_ =	swait.ge [sflag:s4], $0x0  }
0x19: {  	s7 =	sld [smem:$0x3F9C]  }
0x1a: {  	s8 =	sadd.s32 $0xFFFFE003, lr  }
0x1b: {  	s9 =	sadd.s32 $0xFFFFFEF7, lr;
	s5 =	simm.s32 $0xFFFFFFFF;
	p2 =	slt.u32 s8, $0xFFFFF086  }
0x1c: {  	p1 =	slt.u32 s9, $0xF7A;
	s5 =	simm.s32 @!p2 $0x0  }
0x1d: {  	s5 =	simm.s32 @p1 $0x1;
	p0 =	seq.s32 s7, s2  }
0x1e: {  	s7 =	smul.u32 @!p0 $0xF7A, s2;
	p2 =	seq.s32 @!p0 s5, $0x0  }
0x1f: {  	s9 =	smul.u32 $0xF7A, s1;
	s8 =	simm.s32 @!p0 $0x1BF5;
	p2 =	por !p2, p0  }
0x20: {  	[sflag:s8] =	ssyncset.s32 @!p0 $0xFFFFF086;
	s6 =	sadd.s32 @!p0 s3, s7;
	s7 =	simm.s32 @!p0 $0x108  }
0x21: {  	s3 =	sadd.s32 s3, s9;
	s6 =	sadd.s32 @!p0 $0x88, s6;
	s7 =	simm.s32 @p2 $0x1082  }
0x22: {  	[simem:s7], [sflag:s8] =	dma.local @!p0 [hbm:s6], $0xF7A  }
0x23: {  	s9 =	sor.u32 $0xD0000000, s2;
	s6 =	simm.s32 $0x108;
	_ =	swait.ge @!p0 [sflag:s8], $0x0  }
0x24: {  	s3 =	sadd.s32 $0x88, s3;
	s6 =	simm.s32 @!p1 $0x1082;
	[sflag:s4] =	ssyncset.s32 $0xFFFFF086  }
0x25: {  	[simem:s6], [sflag:s4] =	dma.local [hbm:s3], $0xF7A  }
0x26: {  	[smem:$0x3F9C] =	sst s1;
	(tag) =	ssettag s2;
	_ =	strace s9  }
0x27: {  	s1 =	sld [smem:$0x3FAC]  }
0x28: {  	s2 =	sld [smem:$0x3FAD]  }
0x29: {  	s4 =	sld [smem:$0x3FAF]  }
0x2a: {  	p0 =	seq.s32 s5, $0x0;
	s5 =	sld [smem:$0x3FB0]  }
0x2b: {  	s6 =	sld [smem:$0x3FB1]  }
0x2c: {  	s7 =	sld [smem:$0x3FB2]  }
0x2d: {  	s3 =	simm.s32 $0x108;
	s8 =	sld [smem:$0x3FB3]  }
0x2e: {  	s3 =	simm.s32 @!p0 $0x1082;
	s9 =	sld [smem:$0x3FB4]  }
0x2f: {  	lr =	sadd.s32 s0, s3;
	s0 =	sld [smem:$0x3FAB]  }
0x30: {  	s3 =	sld [smem:$0x3FAE]  }
0x31: {  	[smem:$0x3FB7] =	sst s10  }
0x32: {  	s10 =	sld [smem:$0x3FB5];
	_ =	sdelay $0x3  }
0x33: {  	p0 =	seq.s32 s10, $0x1;
	s10 =	sld [smem:$0x3FB7];
	_ =	sdelay $0x3  }
0x34: {  	[smem:$0x3FB7] =	sst s10  }
0x35: {  	s10 =	sld [smem:$0x3FB6];
	_ =	sdelay $0x3  }
0x36: {  	p1 =	seq.s32 s10, $0x1;
	s10 =	sld [smem:$0x3FB7];
	_ =	sdelay $0x3  }
0x37: {  	[smem:$0x3FB7] =	sst s10  }
0x38: {  	s10 =	sld [smem:$0x3FB8]  }
0x39: {  	_ = 	snop;
	(pc) =	sbr.ind lr, $3  }
0x3a: {  	_ = 	snop  }
0x3b: {  	_ = 	snop  }
0x3c: {  	p2 =	seq.s32 s10, $0x1;
	s10 =	sld [smem:$0x3FB7]  }
0x3d: {  	_ =	shalt  }
0x3e: {  	_ =	shalt  }
0x3f: {  	_ =	shalt  }
0x40: {  	_ =	shalt  }
0x41: {  	_ =	shalt  }
0x42: {  	_ =	shalt  }
0x43: {  	_ =	shalt  }
0x44: {  	_ =	shalt  }
0x45: {  	_ =	shalt  }
0x46: {  	_ =	shalt  }
0x47: {  	_ =	shalt  }
0x48: {  	_ =	shalt  }
0x49: {  	_ =	shalt  }
0x4a: {  	_ =	shalt  }
0x4b: {  	_ =	shalt  }
0x4c: {  	_ =	shalt  }
0x4d: {  	_ =	shalt  }
0x4e: {  	_ =	shalt  }
0x4f: {  	_ =	shalt  }
0x50: {  	_ =	shalt  }
0x51: {  	_ =	shalt  }
0x52: {  	_ =	shalt  }
0x53: {  	_ =	shalt  }
0x54: {  	_ =	shalt  }
0x55: {  	_ =	shalt  }
0x56: {  	_ =	shalt  }
0x57: {  	_ =	shalt  }
0x58: {  	_ =	shalt  }
0x59: {  	_ =	shalt  }
0x5a: {  	_ =	shalt  }
0x5b: {  	_ =	shalt  }
0x5c: {  	_ =	shalt  }
0x5d: {  	_ =	shalt  }
0x5e: {  	_ =	shalt  }
0x5f: {  	_ =	shalt  }
0x60: {  	_ =	shalt  }
0x61: {  	_ =	shalt  }
0x62: {  	_ =	shalt  }
0x63: {  	_ =	shalt  }
0x64: {  	_ =	shalt  }
0x65: {  	_ =	shalt  }
0x66: {  	_ =	shalt  }
0x67: {  	_ =	shalt  }
0x68: {  	_ =	shalt  }
0x69: {  	_ =	shalt  }
0x6a: {  	_ =	shalt  }
0x6b: {  	_ =	shalt  }
0x6c: {  	_ =	shalt  }
0x6d: {  	_ =	shalt  }
0x6e: {  	_ =	shalt  }
0x6f: {  	_ =	shalt  }
0x70: {  	_ =	shalt  }
0x71: {  	_ =	shalt  }
0x72: {  	_ =	shalt  }
0x73: {  	_ =	shalt  }
0x74: {  	_ =	shalt  }
0x75: {  	_ =	shalt  }
0x76: {  	_ =	shalt  }
0x77: {  	_ =	shalt  }
0x78: {  	_ =	shalt  }
0x79: {  	_ =	shalt  }
0x7a: {  	_ =	shalt  }
0x7b: {  	_ =	shalt  }
0x7c: {  	_ =	shalt  }
0x7d: {  	_ =	shalt  }
0x7e: {  	_ =	shalt  }
0x7f: {  	_ =	shalt  }
0x80: {  	_ =	shalt  }
0x81: {  	_ =	shalt  }
0x82: {  	_ =	shalt  }
0x83: {  	_ =	shalt  }
0x84: {  	_ =	shalt  }
0x85: {  	_ =	shalt  }
0x86: {  	_ =	shalt  }
0x87: {  	_ =	shalt  }
.Lfunc_end0:
.L_simem_size_0:
called_computation_lowered:
.L_overlay_start_0:
0x88: {  	s2 =	sld [smem:$0x3FD9]  }
0x89: {  	s3 =	sld [smem:$0x3FFE];
	_ =	sdelay $0x1  }
0x8a: {  	s1 =	srdreg.scid  }
0x8b: {  	s0 =	sand.u32 $0x1, s1  }
0x8c: {  	s17 =	sshll.u32 s0, $0xA;
	s2 =	sadd.s32 s3, s2  }
0x8d: {  	s2 =	sadd.s32 s2, s17  }
0x8e: {  	[smem:$0x3FC3] =	sst s2  }
0x8f: {  	_ = 	snop  }
0x90: {  	s2 =	sld [smem:$0x3FD0];
	(tm) =	ssettm $0x1  }
0x91: {  	s18 =	sld [smem:$0x3FFB];
	_ =	sdelay $0x3  }
0x92: {  	_ =	strace s18  }
0x93: {  	s3 =	sld [smem:$0x3FFC];
	_ =	sdelay $0x3  }
0x94: {  	_ =	strace s3  }
0x95: {  	s3 =	sld [smem:$0x3FFD];
	_ =	sdelay $0x3  }
0x96: {  	_ =	strace s3  }
0x97: {  	_ =	strace $0x8FFFFFFF  }
0x98: {  	s19 =	sld [smem:$0x3FDB];
	_ =	sdelay $0x1  }
0x99: {  	s4 =	simm.s32 $_scs_section_size  }
0x9a: {  	s5 =	simm.s32 $_size__tile_overlayer_lowered;
	s6 =	simm.s32 $_tile_overlayer_lowered  }
0x9b: {  	s22 =	simm.s32 $0x1BFF;
	s21 =	sshll.u32 s6, $0x1;
	s3 =	sadd.s32 s4, s19  }
0x9c: {  	s7 =	simm.s32 $0x0;
	s20 =	sshll.u32 s5, $0x1;
	s5 =	sadd.s32 s21, s3  }
0x9d: {  	[timem:s7], [sflag:s22] =	dma.local [hbm:s5], s20  }
0x9e: {  	_ =	swait.ge [sflag:s22], s20  }
0x9f: {  	s4 =	ssub.s32 $0x0, s20;
	[sflag:s22] =	ssyncset.done $0x0  }
0xa0: {  	[sflag:s22] =	ssyncadd.s32 s4;
	_ =	sdelay $0x1  }
0xa1: {  	s23 =	simm.s32 $0x1B8B  }
0xa2: {  	_ =	swait.ge [sflag:s23], $0x1  }
0xa3: {  	[sflag:s23] =	ssyncset.done $0x0  }
0xa4: {  	s25 =	simm.s32 $0x1B8E;
	s24 =	sld [smem:$0x3FFE];
	[sflag:s23] =	ssyncadd.s32 $0xFFFFFFFF  }
0xa5: {  	s26 =	simm.s32 $execute0_lowered;
	[smem:$0x3FD2] =	sst s25  }
0xa6: {  	s5 =	sshll.u32 s26, $0x1;
	_ =	strace $0x80000046;
	[dreg:$0x1] =	wrdreg $0xFFFFFFFF  }
0xa7: {  	s28 =	simm.s32 $_size_execute0_lowered;
	s3 =	sadd.s32 s3, s5;
	[dreg:$0x0] =	wrdreg $0x0  }
0xa8: {  	s5 =	sshll.u32 s28, $0x1;
	[dreg:$0x2] =	wrdreg s3  }
0xa9: {  	[dreg:$0x3] =	wrdreg s5  }
0xaa: {  	[dreg:$0x4] =	wrdreg $0xC0  }
0xab: {  	_ =	task [dreg:s7], $0x5FFFF  }
0xac: {  	[dreg:$0x1] =	wrdreg $0xFFFFFFFF  }
0xad: {  	[dreg:$0x0] =	wrdreg $0x60  }
0xae: {  	[dreg:$0x2] =	wrdreg s24  }
0xaf: {  	[dreg:$0x3] =	wrdreg s2  }
0xb0: {  	[dreg:$0x4] =	wrdreg $0x9  }
0xb1: {  	_ =	task.clear_ibuf [dreg:s7], $0x5FFFF;
	_ =	strace $0x90000046  }
0xb2: {  	s29 =	simm.s32 $0x9;
	_ =	strace $0x80000048  }
0xb3: {  	_ =	swait.ge [sflag:s29], $0x1  }
0xb4: {  	[sflag:s29] =	ssyncadd.s32 $0xFFFFFFFF  }
0xb5: {  	_ =	strace $0x90000048  }
0xb6: {  	_ =	sfence  }
0xb7: {  	s30 =	sld [smem:$0x0];
	_ =	sdelay $0x2  }
0xb8: {  	s31 =	sshll.u32 s1, $0xD;
	s1 =	sshrl.u32 s1, $0x2  }
0xb9: {  	s3 =	sand.u32 $0x4000, s31;
	s1 =	sadd.s32 s1, s30  }
0xba: {  	s0 =	sor.u32 s3, s0;
	s1 =	sshll.u32 s1, $0x11  }
0xbb: {  	s0 =	sor.u32 s1, s0  }
0xbc: {  	s0 =	sadd.s32 $0x8F2B, s0  }
0xbd: {  	[sflag:s0] =	ssyncadd.remote.s32 $0x1  }
0xbe: {  	_ =	sfence.sel $0xFFFF  }
0xbf: {  	[dreg:$0x0] =	wrdreg $0xFFFFFFFF;
	(pc) =	sbr.abs _section_cstart, $3  }
0xc0: {  	[dreg:$0x1] =	wrdreg $0xFFFFFFFF  }
0xc1: {  	_ =	task.clear_ibuf [dreg:s7], $0x2FFFF;
	_ =	strace $0x9FFFFFFF  }
0xc2: {  	(tm) =	ssettm $0x7FFFFFFF  }
0xc3: {  	_ =	shalt  }
tec
execute0_lowered:
.L_overlay_start_1:
0x0: {  	(tag) =	ssettag $0x1  }
0x1: {  	s4 =	rddreg [dreg:$0x0]  }
0x2: {  	s5 =	rddreg [dreg:$0x1];
	v0 =	vimm.s32 $0x7800;
	vm0 =	vcmask $0x2320  }
0x3: {  	s0 =	rddreg [dreg:$0x2];
	s1 =	simm.s32 $0x0;
	vm9 =	vcmask $0x2724;
	v0 =	vsel vm0, $0x4000, v0  }
0x4: {  	vm10 =	vcmask $0x2B28;
	s3 =	srdreg.scid;
	s2 =	stileid.u32;
	s10 =	simm.s32 $0xA000;
	v0 =	vsel vm9, $0x4800, v0  }
0x5: {  	vm11 =	vcmask $0x2F2C;
	v4 =	vlaneseq.u32;
	s11 =	simm.s32 $0x0;
	[smem:$0x7FF] =	sst s1;
	s6 =	sand.u32 $0x1, s3;
	v0 =	vsel vm10, $0x5000, v0  }
0x6: {  	vm12 =	vcmask $0x3330;
	vm13 =	vcmask $0x3734;
	s7 =	sshll.u32 s2, $0x1;
	s3 =	sadd.s32 $0xE00, s4;
	s4 =	sadd.s32 $0xC00, s4;
	v0 =	vsel vm11, $0x5800, v0  }
0x7: {  	vm14 =	vcmask $0x3B38;
	v1 =	vmul.u32 $0x901, v4;
	_ =	strace $0x80000047;
	s8 =	ssub.s32 $0x2, s6;
	s6 =	sor.u32 s6, s7;
	v0 =	vsel vm12, $0x6000, v0  }
0x8: {  	vm15 =	vmmov $0xff;
	v3 =	vimm.f32 $1.000000000e+00;
	s31 =	sshrl.u32 s8, $0x1;
	s9 =	sshll.u32 s6, $0x3;
	s6 =	sshll.u32 s6, $0x8;
	v0 =	vsel vm13, $0x6800, v0  }
0x9: {  	v4 =	vmul.u32 $0x800, v4;
	s7 =	ssub.s32 s8, s31;
	v1 =	vor.u32 s9, v1;
	s5 =	sadd.s32 s5, s6;
	s8 =	simm.s32 $0x1000;
	v2 =	vsel vm14, $0x7000, v0  }
0xa: {  	s6 =	smax.u32 s7, $0x1;
	s7 =	simm.s32 $0x1;
	v0 =	vmov s9;
	s9 =	simm.s32 $0x2000;
	v1 =	vsel vm15, v1, v2;
	v2 =	vimm.f32 $0.0e+00  }
.LBB2_1:
0xb: {  	[tilespmem:s1], [sflag:$0x1] =	stream.linear.gather [hbm4b:s3+s1], $0x1000, $0x38;
	[tilespmem:$0xA800] =	vst v63  }
0xc: {  	_ =	swait.ge [sflag:s7], $0x1000  }
0xd: {  	[sflag:s7] =	ssyncset.done $0x0  }
0xe: {  	[sflag:s7] =	ssyncadd.s32 $0xFFFFF000  }
0xf: {  	[tilespmem:s8], [sflag:$0x1] =	stream.linear.gather [hbm4b:s4+s1], $0x1000, $0x38;
	[tilespmem:$0xA800] =	vst v63  }
0x10: {  	_ =	swait.ge [sflag:s7], $0x1000  }
0x11: {  	[sflag:s7] =	ssyncset.done $0x0  }
0x12: {  	s12 =	simm.s32 $0x0;
	s13 =	simm.s32 $0x400;
	[sflag:s7] =	ssyncadd.s32 $0xFFFFF000  }
.LBB2_2:
0x13: {  	p0 =	sne.s32 s13, $0x1FC00;
	[tilespmem:s12+$0x20F0] =	vst v2  }
0x14: {  	[tilespmem:s12+$0x2000] =	vst v2  }
0x15: {  	[tilespmem:s12+$0x2010] =	vst v2  }
0x16: {  	[tilespmem:s12+$0x2020] =	vst v2  }
0x17: {  	[tilespmem:s12+$0x2030] =	vst v2  }
0x18: {  	[tilespmem:s12+$0x2040] =	vst v2  }
0x19: {  	[tilespmem:s12+$0x2050] =	vst v2  }
0x1a: {  	[tilespmem:s12+$0x2060] =	vst v2  }
0x1b: {  	[tilespmem:s12+$0x2070] =	vst v2  }
0x1c: {  	[tilespmem:s12+$0x2080] =	vst v2  }
0x1d: {  	[tilespmem:s12+$0x2090] =	vst v2  }
.Ltmp0:
0x1e: {  	[tilespmem:s12+$0x20A0] =	vst v2;
	(pc) =	sbr.rel @p0 .LBB2_2-.Ltmp0, $4  }
0x1f: {  	[tilespmem:s12+$0x20B0] =	vst v2  }
0x20: {  	[tilespmem:s12+$0x20C0] =	vst v2  }
0x21: {  	[tilespmem:s12+$0x20D0] =	vst v2  }
0x22: {  	[tilespmem:s12+$0x20E0] =	vst v2;
	s12 =	sshra.s32 s13, $0x2;
	s13 =	sadd.s32 $0x400, s13  }
0x23: {  	[tilespmem:s12+$0x20F0] =	vst v2  }
0x24: {  	[tilespmem:s12+$0x2000] =	vst v2  }
0x25: {  	[tilespmem:s12+$0x2010] =	vst v2  }
0x26: {  	[tilespmem:s12+$0x2020] =	vst v2  }
0x27: {  	[tilespmem:s12+$0x2030] =	vst v2  }
0x28: {  	[tilespmem:s12+$0x2040] =	vst v2  }
0x29: {  	[tilespmem:s12+$0x2050] =	vst v2  }
0x2a: {  	[tilespmem:s12+$0x2060] =	vst v2  }
0x2b: {  	[tilespmem:s12+$0x2070] =	vst v2  }
0x2c: {  	[tilespmem:s12+$0x2080] =	vst v2  }
0x2d: {  	[tilespmem:s12+$0x2090] =	vst v2  }
0x2e: {  	[tilespmem:s12+$0x20A0] =	vst v2  }
0x2f: {  	[tilespmem:s12+$0x20B0] =	vst v2  }
0x30: {  	[tilespmem:s12+$0x20C0] =	vst v2  }
0x31: {  	[tilespmem:s12+$0x20D0] =	vst v2  }
0x32: {  	[tilespmem:s12+$0x20E0] =	vst v2  }
0x33: {  	s12 =	simm.s32 $0x0;
	s13 =	simm.s32 $0x0;
	[tilespmem:v1+s9+$0x0] =	vst.idx.add.f32.msk $0xff, v3  }
.LBB2_4:
0x34: {  	s14 =	sshra.s32 s13, $0x2  }
0x35: {  	v5 =	vld [tilespmem:s14+$0x1000];
	_ =	sdelay $0x1  }
0x36: {  	v6 =	vld [tilespmem:s14+$0x0];
	_ =	sdelay $0x2  }
0x37: {  	v5 =	vsub.s32 v5, v0  }
0x38: {  	v7 =	vshll.u32 v5, $0x8  }
0x39: {  	v6 =	vadd.s32 v7, v6  }
0x3a: {  	vm0 =	vlt.u32 v5, $0x8;
	v5 =	vadd.s32 v4, v6  }
0x3b: {  	v5 =	vsel vm0, v5, v4;
	_ =	sdelay $0x4  }
0x3c: {  	[tilespmem:v5+s9+$0x0] =	vst.idx.add.f32.msk vm0, v3  }
0x3d: {  	v5 =	vld [tilespmem:s14+$0x1010];
	_ =	sdelay $0x1  }
0x3e: {  	v6 =	vld [tilespmem:s14+$0x10];
	_ =	sdelay $0x2  }
0x3f: {  	v5 =	vsub.s32 v5, v0  }
0x40: {  	v7 =	vshll.u32 v5, $0x8  }
0x41: {  	v6 =	vadd.s32 v7, v6  }
0x42: {  	vm9 =	vlt.u32 v5, $0x8;
	v5 =	vadd.s32 v4, v6  }
0x43: {  	v5 =	vsel vm9, v5, v4;
	_ =	sdelay $0x4  }
0x44: {  	[tilespmem:v5+s9+$0x0] =	vst.idx.add.f32.msk vm9, v3  }
0x45: {  	v5 =	vld [tilespmem:s14+$0x1020];
	_ =	sdelay $0x1  }
0x46: {  	v6 =	vld [tilespmem:s14+$0x20];
	_ =	sdelay $0x2  }
0x47: {  	v5 =	vsub.s32 v5, v0  }
0x48: {  	v7 =	vshll.u32 v5, $0x8  }
0x49: {  	v6 =	vadd.s32 v7, v6  }
0x4a: {  	vm10 =	vlt.u32 v5, $0x8;
	v5 =	vadd.s32 v4, v6  }
0x4b: {  	v5 =	vsel vm10, v5, v4;
	_ =	sdelay $0x4  }
0x4c: {  	[tilespmem:v5+s9+$0x0] =	vst.idx.add.f32.msk vm10, v3  }
0x4d: {  	v5 =	vld [tilespmem:s14+$0x1030];
	_ =	sdelay $0x1  }
0x4e: {  	v6 =	vld [tilespmem:s14+$0x30];
	_ =	sdelay $0x2  }
0x4f: {  	v5 =	vsub.s32 v5, v0  }
0x50: {  	v7 =	vshll.u32 v5, $0x8  }
0x51: {  	v6 =	vadd.s32 v7, v6  }
0x52: {  	vm11 =	vlt.u32 v5, $0x8;
	v5 =	vadd.s32 v4, v6  }
0x53: {  	v5 =	vsel vm11, v5, v4;
	_ =	sdelay $0x4  }
0x54: {  	[tilespmem:v5+s9+$0x0] =	vst.idx.add.f32.msk vm11, v3  }
0x55: {  	v5 =	vld [tilespmem:s14+$0x1040];
	_ =	sdelay $0x1  }
0x56: {  	v6 =	vld [tilespmem:s14+$0x40];
	_ =	sdelay $0x2  }
0x57: {  	v5 =	vsub.s32 v5, v0  }
0x58: {  	v7 =	vshll.u32 v5, $0x8  }
0x59: {  	v6 =	vadd.s32 v7, v6  }
0x5a: {  	vm12 =	vlt.u32 v5, $0x8;
	v5 =	vadd.s32 v4, v6  }
0x5b: {  	v5 =	vsel vm12, v5, v4;
	_ =	sdelay $0x4  }
0x5c: {  	[tilespmem:v5+s9+$0x0] =	vst.idx.add.f32.msk vm12, v3  }
0x5d: {  	v5 =	vld [tilespmem:s14+$0x1050];
	_ =	sdelay $0x1  }
0x5e: {  	v6 =	vld [tilespmem:s14+$0x50];
	_ =	sdelay $0x2  }
0x5f: {  	v5 =	vsub.s32 v5, v0  }
0x60: {  	v7 =	vshll.u32 v5, $0x8  }
0x61: {  	v6 =	vadd.s32 v7, v6  }
0x62: {  	vm13 =	vlt.u32 v5, $0x8;
	v5 =	vadd.s32 v4, v6  }
0x63: {  	v5 =	vsel vm13, v5, v4;
	_ =	sdelay $0x4  }
0x64: {  	[tilespmem:v5+s9+$0x0] =	vst.idx.add.f32.msk vm13, v3  }
0x65: {  	v5 =	vld [tilespmem:s14+$0x1060];
	_ =	sdelay $0x1  }
0x66: {  	v6 =	vld [tilespmem:s14+$0x60];
	_ =	sdelay $0x2  }
0x67: {  	v5 =	vsub.s32 v5, v0  }
0x68: {  	v7 =	vshll.u32 v5, $0x8  }
0x69: {  	v6 =	vadd.s32 v7, v6  }
0x6a: {  	vm14 =	vlt.u32 v5, $0x8;
	v5 =	vadd.s32 v4, v6  }
0x6b: {  	v5 =	vsel vm14, v5, v4;
	_ =	sdelay $0x4  }
0x6c: {  	[tilespmem:v5+s9+$0x0] =	vst.idx.add.f32.msk vm14, v3  }
0x6d: {  	v5 =	vld [tilespmem:s14+$0x1070];
	_ =	sdelay $0x1  }
0x6e: {  	v6 =	vld [tilespmem:s14+$0x70];
	_ =	sdelay $0x2  }
0x6f: {  	v5 =	vsub.s32 v5, v0  }
0x70: {  	v7 =	vshll.u32 v5, $0x8  }
0x71: {  	v6 =	vadd.s32 v7, v6  }
0x72: {  	vm15 =	vlt.u32 v5, $0x8;
	v5 =	vadd.s32 v4, v6  }
0x73: {  	p0 =	sne.s32 s13, $0x3E00;
	v5 =	vsel vm15, v5, v4  }
.Ltmp1:
0x74: {  	_ = 	snop;
	(pc) =	sbr.rel @p0 .LBB2_4-.Ltmp1, $2  }
0x75: {  	_ =	sdelay $0x2  }
0x76: {  	s13 =	sadd.s32 $0x200, s13;
	[tilespmem:v5+s9+$0x0] =	vst.idx.add.f32.msk vm15, v3  }
0x77: {  	s13 =	simm.s32 $0x0  }
0x78: {  	v5 =	vld [tilespmem:s13+$0x9830]  }
0x79: {  	v6 =	vld [tilespmem:s13+$0x9030]  }
0x7a: {  	v7 =	vld [tilespmem:s13+$0x8830]  }
0x7b: {  	v8 =	vld [tilespmem:s13+$0x8030]  }
0x7c: {  	v9 =	vld [tilespmem:s13+$0x7830]  }
0x7d: {  	v11 =	vld [tilespmem:s13+$0x7030]  }
0x7e: {  	v14 =	vld [tilespmem:s13+$0x6810]  }
0x7f: {  	v15 =	vld [tilespmem:s13+$0x6830]  }
0x80: {  	v16 =	vld [tilespmem:s13+$0x6010]  }
0x81: {  	v17 =	vld [tilespmem:s13+$0x6020]  }
0x82: {  	v18 =	vld [tilespmem:s13+$0x6030]  }
0x83: {  	v19 =	vld [tilespmem:s13+$0x5810]  }
0x84: {  	v20 =	vld [tilespmem:s13+$0x5820]  }
0x85: {  	v21 =	vld [tilespmem:s13+$0x5830]  }
0x86: {  	v22 =	vld [tilespmem:s13+$0x5010]  }
0x87: {  	v23 =	vld [tilespmem:s13+$0x5020]  }
0x88: {  	v10 =	vld [tilespmem:s13+$0x5030]  }
0x89: {  	v12 =	vld [tilespmem:s13+$0x4810]  }
0x8a: {  	v24 =	vld [tilespmem:s13+$0x4820]  }
0x8b: {  	v13 =	vld [tilespmem:s13+$0x4830]  }
0x8c: {  	v25 =	vld [tilespmem:s13+$0x4010]  }
0x8d: {  	v26 =	vld [tilespmem:s13+$0x4020]  }
0x8e: {  	v27 =	vld [tilespmem:s13+$0x4030]  }
0x8f: {  	v28 =	vld [tilespmem:s13+$0x3830]  }
0x90: {  	v29 =	vld [tilespmem:s13+$0x3030]  }
0x91: {  	v30 =	vld [tilespmem:s13+$0x2830]  }
0x92: {  	v31 =	vld [tilespmem:s13+$0x2030]  }
0x93: {  	v32 =	vld [tilespmem:s13+$0x2010]  }
0x94: {  	v33 =	vld [tilespmem:s13+$0x2020]  }
0x95: {  	v34 =	vld [tilespmem:s13+$0x2810]  }
0x96: {  	v35 =	vld [tilespmem:s13+$0x2820]  }
0x97: {  	v36 =	vld [tilespmem:s13+$0x3010];
	v31 =	vadd.f32 $0.0e+00, v31  }
0x98: {  	v37 =	vld [tilespmem:s13+$0x3020];
	v32 =	vadd.f32 $0.0e+00, v32  }
0x99: {  	v38 =	vld [tilespmem:s13+$0x3810];
	v33 =	vadd.f32 $0.0e+00, v33;
	v30 =	vadd.f32 v30, v31  }
0x9a: {  	s14 =	sand.u32 $0x7C0, s12;
	v31 =	vld [tilespmem:s13+$0x3820];
	v32 =	vadd.f32 v34, v32  }
0x9b: {  	v39 =	vld [tilespmem:s14+$0x4000];
	v33 =	vadd.f32 v35, v33;
	v29 =	vadd.f32 v29, v30  }
0x9c: {  	v60 =	vld [tilespmem:s14+$0x5000];
	v32 =	vadd.f32 v36, v32  }
0x9d: {  	v61 =	vld [tilespmem:s14+$0x6000];
	v33 =	vadd.f32 v37, v33;
	v28 =	vadd.f32 v28, v29  }
0x9e: {  	v62 =	vld [tilespmem:s14+$0x7000];
	v32 =	vadd.f32 v38, v32  }
0x9f: {  	v63 =	vld [tilespmem:s14+$0x7800];
	v31 =	vadd.f32 v31, v33;
	v27 =	vadd.f32 v27, v28  }
0xa0: {  	v30 =	vld [tilespmem:s14+$0x4800];
	v25 =	vadd.f32 v25, v32  }
0xa1: {  	v29 =	vld [tilespmem:s14+$0x5800];
	v26 =	vadd.f32 v26, v31;
	v27 =	vadd.f32 v13, v27  }
0xa2: {  	v28 =	vld [tilespmem:s14+$0x6800];
	v25 =	vadd.f32 v12, v25  }
0xa3: {  	v13 =	vld [tilespmem:s14+$0x8000];
	v24 =	vadd.f32 v24, v26;
	v27 =	vadd.f32 v10, v27  }
0xa4: {  	v12 =	vld [tilespmem:s14+$0x8800];
	v22 =	vadd.f32 v22, v25  }
0xa5: {  	v10 =	vld [tilespmem:s14+$0x9800];
	v23 =	vadd.f32 v23, v24;
	v21 =	vadd.f32 v21, v27  }
0xa6: {  	v25 =	vld [tilespmem:s13+$0x6820];
	v19 =	vadd.f32 v19, v22  }
0xa7: {  	v24 =	vld [tilespmem:s13+$0x7010];
	v20 =	vadd.f32 v20, v23;
	v18 =	vadd.f32 v18, v21  }
0xa8: {  	v21 =	vld [tilespmem:s13+$0x7020];
	v16 =	vadd.f32 v16, v19  }
0xa9: {  	v22 =	vld [tilespmem:s13+$0x7810];
	v17 =	vadd.f32 v17, v20;
	v15 =	vadd.f32 v15, v18  }
0xaa: {  	v18 =	vld [tilespmem:s13+$0x7820];
	v14 =	vadd.f32 v14, v16  }
0xab: {  	v19 =	vld [tilespmem:s13+$0x8010];
	v16 =	vadd.f32 v25, v17;
	v11 =	vadd.f32 v11, v15  }
0xac: {  	v15 =	vld [tilespmem:s13+$0x8020];
	v14 =	vadd.f32 v24, v14  }
0xad: {  	v17 =	vld [tilespmem:s13+$0x8810];
	v16 =	vadd.f32 v21, v16;
	v9 =	vadd.f32 v9, v11  }
0xae: {  	v11 =	vld [tilespmem:s13+$0x8820];
	v14 =	vadd.f32 v22, v14  }
0xaf: {  	v20 =	vld [tilespmem:s13+$0x9010];
	v16 =	vadd.f32 v18, v16;
	v8 =	vadd.f32 v8, v9  }
0xb0: {  	v9 =	vld [tilespmem:s13+$0x9020];
	v14 =	vadd.f32 v19, v14  }
0xb1: {  	v18 =	vld [tilespmem:s13+$0x9810];
	v15 =	vadd.f32 v15, v16;
	v7 =	vadd.f32 v7, v8  }
0xb2: {  	v8 =	vld [tilespmem:s13+$0x9820];
	v14 =	vadd.f32 v17, v14  }
0xb3: {  	v25 =	vld [tilespmem:s14+$0x9000];
	v6 =	vadd.f32 v6, v7;
	v7 =	vadd.f32 v11, v15  }
0xb4: {  	v19 =	vld [tilespmem:s14+$0x3800];
	v11 =	vadd.f32 v20, v14  }
0xb5: {  	v16 =	vld [tilespmem:s13+$0x2000];
	v5 =	vadd.f32 v5, v6;
	v6 =	vadd.f32 v9, v7  }
0xb6: {  	v15 =	vld [tilespmem:s14+$0x3000];
	v7 =	vadd.f32 v18, v11  }
0xb7: {  	v14 =	vld [tilespmem:s14+$0x2800];
	s14 =	simm.s32 $0x40;
	[tilespmem:s13+$0xA030] =	vst v5;
	v8 =	vadd.f32 v8, v6  }
0xb8: {  	v5 =	vld [tilespmem:s14+$0x9830];
	[tilespmem:s13+$0xA010] =	vst v7  }
0xb9: {  	v6 =	vld [tilespmem:s14+$0x9030];
	[tilespmem:s13+$0xA020] =	vst v8  }
0xba: {  	v11 =	vadd.f32 $0.0e+00, v16;
	v7 =	vld [tilespmem:s14+$0x8830]  }
0xbb: {  	v8 =	vld [tilespmem:s14+$0x8030]  }
0xbc: {  	v16 =	vadd.f32 v14, v11;
	v9 =	vld [tilespmem:s14+$0x7830]  }
0xbd: {  	v11 =	vld [tilespmem:s14+$0x7030]  }
0xbe: {  	v14 =	vld [tilespmem:s14+$0x6810];
	v16 =	vadd.f32 v15, v16  }
0xbf: {  	v15 =	vld [tilespmem:s14+$0x6830]  }
0xc0: {  	v17 =	vld [tilespmem:s14+$0x6010];
	v19 =	vadd.f32 v19, v16  }
0xc1: {  	v18 =	vld [tilespmem:s14+$0x6030]  }
0xc2: {  	v20 =	vld [tilespmem:s14+$0x5810];
	v21 =	vadd.f32 v39, v19  }
0xc3: {  	v22 =	vld [tilespmem:s14+$0x5010]  }
0xc4: {  	v24 =	vld [tilespmem:s14+$0x5030];
	v23 =	vadd.f32 v30, v21  }
0xc5: {  	v27 =	vld [tilespmem:s14+$0x4810]  }
0xc6: {  	v33 =	vld [tilespmem:s14+$0x4830];
	v26 =	vadd.f32 v60, v23  }
0xc7: {  	v38 =	vld [tilespmem:s14+$0x4010]  }
0xc8: {  	v37 =	vld [tilespmem:s14+$0x4020];
	v29 =	vadd.f32 v29, v26  }
0xc9: {  	v31 =	vld [tilespmem:s14+$0x3030]  }
0xca: {  	v16 =	vld [tilespmem:s14+$0x6020];
	v29 =	vadd.f32 v61, v29  }
0xcb: {  	v19 =	vld [tilespmem:s14+$0x5820]  }
0xcc: {  	v21 =	vld [tilespmem:s14+$0x5830];
	v28 =	vadd.f32 v28, v29  }
0xcd: {  	v30 =	vld [tilespmem:s14+$0x4030]  }
0xce: {  	v23 =	vld [tilespmem:s14+$0x5020];
	v28 =	vadd.f32 v62, v28  }
0xcf: {  	v26 =	vld [tilespmem:s14+$0x4820]  }
0xd0: {  	v29 =	vld [tilespmem:s14+$0x3830];
	v32 =	vadd.f32 v63, v28  }
0xd1: {  	s15 =	simm.s32 $0x200;
	v28 =	vld [tilespmem:s14+$0x2830]  }
.LBB2_6:
0xd2: {  	p0 =	sne.s32 s15, $0x1F00;
	v34 =	vld [tilespmem:s14+$0x2030];
	v13 =	vadd.f32 v13, v32  }
0xd3: {  	v32 =	vld [tilespmem:s14+$0x2010]  }
0xd4: {  	v35 =	vld [tilespmem:s14+$0x2020];
	v12 =	vadd.f32 v12, v13  }
0xd5: {  	v13 =	vld [tilespmem:s14+$0x2810]  }
0xd6: {  	v39 =	vld [tilespmem:s14+$0x2820];
	v12 =	vadd.f32 v25, v12  }
0xd7: {  	v25 =	vld [tilespmem:s14+$0x3010];
	v34 =	vadd.f32 $0.0e+00, v34  }
0xd8: {  	v32 =	vadd.f32 $0.0e+00, v32;
	v40 =	vld [tilespmem:s14+$0x3020];
	v10 =	vadd.f32 v10, v12  }
0xd9: {  	s12 =	sadd.s32 $0x40, s12;
	v12 =	vld [tilespmem:s14+$0x3810];
	v35 =	vadd.f32 $0.0e+00, v35;
	v28 =	vadd.f32 v28, v34  }
0xda: {  	s16 =	sand.u32 $0x7C0, s12;
	v13 =	vadd.f32 v13, v32;
	v41 =	vld [tilespmem:s14+$0x3820];
	[tilespmem:s13+$0xA000] =	vst v10;
	s13 =	smov.u32 s14  }
0xdb: {  	v36 =	vld [tilespmem:s16+$0x4000];
	v10 =	vadd.f32 v39, v35;
	v28 =	vadd.f32 v31, v28  }
0xdc: {  	v35 =	vld [tilespmem:s16+$0x4800];
	v13 =	vadd.f32 v25, v13  }
0xdd: {  	v34 =	vld [tilespmem:s16+$0x5000];
	v10 =	vadd.f32 v40, v10;
	v25 =	vadd.f32 v29, v28  }
0xde: {  	v32 =	vld [tilespmem:s16+$0x5800];
	v12 =	vadd.f32 v12, v13  }
0xdf: {  	v31 =	vld [tilespmem:s16+$0x6000];
	v10 =	vadd.f32 v41, v10;
	v13 =	vadd.f32 v30, v25  }
0xe0: {  	v30 =	vld [tilespmem:s16+$0x6800];
	v12 =	vadd.f32 v38, v12  }
0xe1: {  	v29 =	vld [tilespmem:s16+$0x7000];
	v10 =	vadd.f32 v37, v10;
	v25 =	vadd.f32 v33, v13  }
0xe2: {  	v28 =	vld [tilespmem:s16+$0x7800];
	v27 =	vadd.f32 v27, v12  }
0xe3: {  	v13 =	vld [tilespmem:s16+$0x8000];
	v26 =	vadd.f32 v26, v10;
	v24 =	vadd.f32 v24, v25  }
0xe4: {  	v12 =	vld [tilespmem:s16+$0x8800];
	v22 =	vadd.f32 v22, v27  }
0xe5: {  	v10 =	vld [tilespmem:s16+$0x9800];
	v23 =	vadd.f32 v23, v26;
	v21 =	vadd.f32 v21, v24  }
0xe6: {  	v20 =	vadd.f32 v20, v22;
	v22 =	vld [tilespmem:s13+$0x6820]  }
0xe7: {  	v24 =	vld [tilespmem:s13+$0x7010];
	v19 =	vadd.f32 v19, v23;
	v18 =	vadd.f32 v18, v21  }
0xe8: {  	v17 =	vadd.f32 v17, v20;
	v20 =	vld [tilespmem:s13+$0x7020]  }
0xe9: {  	v21 =	vld [tilespmem:s13+$0x7810];
	v16 =	vadd.f32 v16, v19;
	v15 =	vadd.f32 v15, v18  }
0xea: {  	v14 =	vadd.f32 v14, v17;
	v17 =	vld [tilespmem:s13+$0x7820]  }
0xeb: {  	v18 =	vld [tilespmem:s13+$0x8010];
	v16 =	vadd.f32 v22, v16;
	v11 =	vadd.f32 v11, v15  }
0xec: {  	v14 =	vadd.f32 v24, v14;
	v15 =	vld [tilespmem:s13+$0x8020]  }
0xed: {  	v19 =	vld [tilespmem:s13+$0x8810];
	v16 =	vadd.f32 v20, v16;
	v9 =	vadd.f32 v9, v11  }
0xee: {  	v11 =	vadd.f32 v21, v14;
	v14 =	vld [tilespmem:s13+$0x8820]  }
0xef: {  	v20 =	vld [tilespmem:s13+$0x9010];
	v16 =	vadd.f32 v17, v16;
	v8 =	vadd.f32 v8, v9  }
0xf0: {  	v9 =	vadd.f32 v18, v11;
	v11 =	vld [tilespmem:s13+$0x9020]  }
0xf1: {  	v17 =	vld [tilespmem:s13+$0x9810];
	v15 =	vadd.f32 v15, v16;
	v7 =	vadd.f32 v7, v8  }
0xf2: {  	v8 =	vadd.f32 v19, v9;
	v9 =	vld [tilespmem:s13+$0x9820]  }
0xf3: {  	v16 =	vld [tilespmem:s13+$0x2000];
	v14 =	vadd.f32 v14, v15;
	v6 =	vadd.f32 v6, v7  }
0xf4: {  	v25 =	vld [tilespmem:s16+$0x9000];
	v7 =	vadd.f32 v20, v8  }
0xf5: {  	v18 =	vld [tilespmem:s16+$0x3800];
	v8 =	vadd.f32 v11, v14;
	v5 =	vadd.f32 v5, v6  }
0xf6: {  	v15 =	vld [tilespmem:s16+$0x3000];
	v6 =	vadd.f32 v17, v7  }
0xf7: {  	s14 =	sshra.s32 s15, $0x2;
	v11 =	vld [tilespmem:s16+$0x2800];
	v7 =	vadd.f32 v9, v8;
	[tilespmem:s13+$0xA030] =	vst v5  }
0xf8: {  	v5 =	vld [tilespmem:s14+$0x9830];
	[tilespmem:s13+$0xA010] =	vst v6  }
0xf9: {  	v6 =	vld [tilespmem:s14+$0x9030];
	[tilespmem:s13+$0xA020] =	vst v7  }
0xfa: {  	v14 =	vadd.f32 $0.0e+00, v16;
	v7 =	vld [tilespmem:s14+$0x8830]  }
0xfb: {  	v8 =	vld [tilespmem:s14+$0x8030]  }
0xfc: {  	v9 =	vld [tilespmem:s14+$0x7830];
	v16 =	vadd.f32 v11, v14  }
0xfd: {  	v11 =	vld [tilespmem:s14+$0x7030]  }
0xfe: {  	v14 =	vld [tilespmem:s14+$0x6810];
	v16 =	vadd.f32 v15, v16  }
0xff: {  	v15 =	vld [tilespmem:s14+$0x6830]  }
0x100: {  	v17 =	vld [tilespmem:s14+$0x6010];
	v19 =	vadd.f32 v18, v16  }
0x101: {  	v16 =	vld [tilespmem:s14+$0x6020]  }
0x102: {  	v18 =	vld [tilespmem:s14+$0x6030];
	v21 =	vadd.f32 v36, v19  }
0x103: {  	v20 =	vld [tilespmem:s14+$0x5810]  }
0x104: {  	v19 =	vld [tilespmem:s14+$0x5820];
	v23 =	vadd.f32 v35, v21  }
0x105: {  	v21 =	vld [tilespmem:s14+$0x5830]  }
0x106: {  	v22 =	vld [tilespmem:s14+$0x5010];
	v26 =	vadd.f32 v34, v23  }
0x107: {  	v23 =	vld [tilespmem:s14+$0x5020]  }
0x108: {  	v24 =	vld [tilespmem:s14+$0x5030];
	v32 =	vadd.f32 v32, v26  }
0x109: {  	v27 =	vld [tilespmem:s14+$0x4810]  }
0x10a: {  	v26 =	vld [tilespmem:s14+$0x4820];
	v31 =	vadd.f32 v31, v32  }
0x10b: {  	v33 =	vld [tilespmem:s14+$0x4830]  }
0x10c: {  	v38 =	vld [tilespmem:s14+$0x4010];
	v31 =	vadd.f32 v30, v31  }
.Ltmp2:
0x10d: {  	v37 =	vld [tilespmem:s14+$0x4020];
	(pc) =	sbr.rel @p0 .LBB2_6-.Ltmp2, $4  }
0x10e: {  	v30 =	vld [tilespmem:s14+$0x4030];
	v32 =	vadd.f32 v29, v31  }
0x10f: {  	v29 =	vld [tilespmem:s14+$0x3830]  }
0x110: {  	v31 =	vld [tilespmem:s14+$0x3030];
	v32 =	vadd.f32 v28, v32  }
0x111: {  	s15 =	sadd.s32 $0x100, s15;
	v28 =	vld [tilespmem:s14+$0x2830]  }
0x112: {  	v34 =	vld [tilespmem:s14+$0x2030];
	v13 =	vadd.f32 v13, v32  }
0x113: {  	v54 =	vld [tilespmem:s14+$0x2010]  }
0x114: {  	v35 =	vld [tilespmem:s14+$0x2020];
	v12 =	vadd.f32 v12, v13  }
0x115: {  	v55 =	vld [tilespmem:s14+$0x2810]  }
0x116: {  	v36 =	vld [tilespmem:s14+$0x2820];
	v12 =	vadd.f32 v25, v12  }
0x117: {  	v56 =	vld [tilespmem:s14+$0x3010]  }
0x118: {  	v39 =	vld [tilespmem:s14+$0x3020];
	v10 =	vadd.f32 v10, v12  }
0x119: {  	v57 =	vld [tilespmem:s14+$0x3810]  }
0x11a: {  	v40 =	vld [tilespmem:s14+$0x3820];
	[tilespmem:s13+$0xA000] =	vst v10  }
0x11b: {  	s12 =	sadd.s32 $0x40, s12;
	v10 =	vld [tilespmem:s14+$0x2000]  }
0x11c: {  	s12 =	sand.u32 $0x7C0, s12  }
0x11d: {  	v34 =	vadd.f32 $0.0e+00, v34;
	v41 =	vld [tilespmem:s12+$0x2800]  }
0x11e: {  	v32 =	vadd.f32 $0.0e+00, v54  }
0x11f: {  	v35 =	vadd.f32 $0.0e+00, v35;
	v28 =	vadd.f32 v28, v34;
	v58 =	vld [tilespmem:s12+$0x3000]  }
0x120: {  	v13 =	vadd.f32 v55, v32;
	v59 =	vld [tilespmem:s12+$0x4000];
	v10 =	vadd.f32 $0.0e+00, v10  }
0x121: {  	v35 =	vadd.f32 v36, v35;
	v28 =	vadd.f32 v31, v28;
	v60 =	vld [tilespmem:s12+$0x3800]  }
0x122: {  	v13 =	vadd.f32 v56, v13;
	v61 =	vld [tilespmem:s12+$0x4800];
	v10 =	vadd.f32 v41, v10  }
0x123: {  	v35 =	vadd.f32 v39, v35;
	v62 =	vld [tilespmem:s12+$0x5000];
	v28 =	vadd.f32 v29, v28  }
0x124: {  	v63 =	vld [tilespmem:s12+$0x5800];
	v12 =	vadd.f32 v57, v13;
	v10 =	vadd.f32 v58, v10  }
0x125: {  	v39 =	vld [tilespmem:s12+$0x6000];
	v40 =	vadd.f32 v40, v35;
	v28 =	vadd.f32 v30, v28  }
0x126: {  	v42 =	vld [tilespmem:s12+$0x7000];
	v12 =	vadd.f32 v38, v12;
	v10 =	vadd.f32 v60, v10  }
0x127: {  	v43 =	vld [tilespmem:s12+$0x7800];
	v34 =	vadd.f32 v37, v40;
	v28 =	vadd.f32 v33, v28  }
0x128: {  	v44 =	vld [tilespmem:s12+$0x8000];
	v12 =	vadd.f32 v27, v12;
	v10 =	vadd.f32 v59, v10  }
0x129: {  	v45 =	vld [tilespmem:s12+$0x8800];
	v26 =	vadd.f32 v26, v34;
	v24 =	vadd.f32 v24, v28  }
0x12a: {  	v47 =	vld [tilespmem:s14+$0x6820];
	v12 =	vadd.f32 v22, v12;
	v10 =	vadd.f32 v61, v10  }
0x12b: {  	v48 =	vld [tilespmem:s14+$0x7010];
	v46 =	vadd.f32 v23, v26;
	v21 =	vadd.f32 v21, v24  }
0x12c: {  	v49 =	vld [tilespmem:s14+$0x7020];
	v12 =	vadd.f32 v20, v12;
	v10 =	vadd.f32 v62, v10  }
0x12d: {  	v41 =	vld [tilespmem:s12+$0x6800];
	v19 =	vadd.f32 v19, v46;
	v18 =	vadd.f32 v18, v21  }
0x12e: {  	v50 =	vld [tilespmem:s14+$0x7810];
	v12 =	vadd.f32 v17, v12;
	v10 =	vadd.f32 v63, v10  }
0x12f: {  	v51 =	vld [tilespmem:s14+$0x7820];
	v16 =	vadd.f32 v16, v19;
	v15 =	vadd.f32 v15, v18  }
0x130: {  	v52 =	vld [tilespmem:s14+$0x8010];
	v12 =	vadd.f32 v14, v12;
	v10 =	vadd.f32 v39, v10  }
0x131: {  	v54 =	vld [tilespmem:s14+$0x8020];
	v53 =	vadd.f32 v47, v16;
	v11 =	vadd.f32 v11, v15  }
0x132: {  	v55 =	vld [tilespmem:s14+$0x8810];
	v12 =	vadd.f32 v48, v12;
	v10 =	vadd.f32 v41, v10  }
0x133: {  	v56 =	vld [tilespmem:s14+$0x8820];
	v13 =	vadd.f32 v49, v53;
	v9 =	vadd.f32 v9, v11  }
0x134: {  	v57 =	vld [tilespmem:s14+$0x9010];
	v12 =	vadd.f32 v50, v12;
	v10 =	vadd.f32 v42, v10  }
0x135: {  	v58 =	vld [tilespmem:s14+$0x9020];
	v13 =	vadd.f32 v51, v13;
	v8 =	vadd.f32 v8, v9  }
0x136: {  	v60 =	vld [tilespmem:s12+$0x9000];
	v12 =	vadd.f32 v52, v12;
	v10 =	vadd.f32 v43, v10  }
0x137: {  	v59 =	vld [tilespmem:s14+$0x9810];
	v13 =	vadd.f32 v54, v13;
	v7 =	vadd.f32 v7, v8  }
0x138: {  	v61 =	vld [tilespmem:s14+$0x9820];
	v12 =	vadd.f32 v55, v12;
	v10 =	vadd.f32 v44, v10  }
0x139: {  	v62 =	vld [tilespmem:s12+$0x9800];
	v11 =	vadd.f32 v56, v13;
	v6 =	vadd.f32 v6, v7  }
0x13a: {  	v7 =	vadd.f32 v57, v12;
	v10 =	vadd.f32 v45, v10  }
0x13b: {  	v9 =	vadd.f32 v58, v11;
	v5 =	vadd.f32 v5, v6  }
0x13c: {  	v6 =	vadd.f32 v59, v7;
	v7 =	vadd.f32 v60, v10  }
0x13d: {  	v63 =	vadd.f32 v61, v9;
	[tilespmem:s14+$0xA030] =	vst v5  }
0x13e: {  	s11 =	sadd.s32 $0x1, s11;
	[tilespmem:s14+$0xA010] =	vst v6;
	v5 =	vadd.f32 v62, v7  }
0x13f: {  	p0 =	sne.s32 s11, s6;
	[tilespmem:s14+$0xA020] =	vst v63  }
.Ltmp3:
0x140: {  	[tilespmem:s14+$0xA000] =	vst v5;
	(pc) =	sbr.rel @p0 .LBB2_1-.Ltmp3, $4  }
0x141: {  	[hbm4b:s5+s1] =	stream.linear.scatter [tilespmem:s10], [sflag:$0x1], $0x800, $0x38;
	[tilespmem:$0xA800] =	vst v63  }
0x142: {  	_ =	swait.ge [sflag:s7], $0x800  }
0x143: {  	[sflag:s7] =	ssyncset.done $0x0  }
0x144: {  	[sflag:s7] =	ssyncadd.s32 $0xFFFFF800  }
0x145: {  	_ =	sfence.sel $0x180000  }
0x146: {  	[bflag:$0x0] =	sbarrier.arrive $0xFFFF  }
0x147: {  	p0 =	sne.s32 s2, $0x0;
	_ =	strace $0x90000047  }
0x148: {  	s0 =	sadd.s32 @!p0 $0x100000, s0;
	[bflag:$0x2] =	sbarrier.arrive $0xFFFF  }
0x149: {  	[sflag:s0] =	ssyncadd.tile.s32 @!p0 $0x1;
	_ =	shalt  }
.Lfunc_end2:
_tile_overlayer_lowered:
.L_overlay_start_2:
0x14a: {  	(tag) =	ssettag $0x2  }
0x14b: {  	s0 =	rddreg [dreg:$0x0];
	s2 =	stileid.u32  }
0x14c: {  	s1 =	rddreg [dreg:$0x1];
	p0 =	sne.s32 s2, $0x0  }
0x14d: {  	s3 =	rddreg [dreg:$0x2];
	[bflag:$0x3] =	sbarrier.arrive $0xFFFF;
	s2 =	simm.s32 @!p0 $0x1C01  }
0x14e: {  	[timem:s3], [sflag:s2] =	dma.local @!p0 [hbm:s0], s1  }
0x14f: {  	s0 =	simm.s32 @!p0 $0x1  }
0x150: {  	_ =	swait.ge @!p0 [sflag:s0], s1  }
0x151: {  	s1 =	ssub.s32 @!p0 $0x0, s1;
	[sflag:s0] =	ssyncset.done @!p0 $0x0  }
0x152: {  	[sflag:s0] =	ssyncadd.s32 @!p0 s1  }
0x153: {  	[bflag:$0x3] =	sbarrier.arrive $0xFFFF  }
0x154: {  	_ =	shalt  }

</sc_bundles>
